<compile_context>
chip_gen: v7x
topology: tpu7x:2x2x1
jax: 0.10.2.dev20260603
libtpu: 0.0.44.dev20260713+nightly
codegen_flags: <defaults>
</compile_context>

<pallas_src>
import jax
import jax.numpy as jnp
from jax import lax
from jax.experimental import pallas as pl
from jax.experimental.pallas import tpu as pltpu
from jax.experimental.pallas import tpu_sc as plsc

B, C, H, W = 2, 96, 384, 384
VOX = 128 * 128 * 16
NPIX = H * W
NCH = B * C
NC, NS = 2, 16
CH_PER_SC = NCH // NC
PIX_PER_TILE = NPIX // NS
VOX_PER_TILE = VOX // NS


def _sc_scatter(feat_hbm, idx_hbm, out_hbm,
                v0, v1, v2, idx1d, zeros, g0, g1, g2,
                sv0, sv1, sv2, swb0, swb1, swb2, sz0, sz1, sz2):
    c = lax.axis_index("c")
    s = lax.axis_index("s")
    rows = pl.ds(s * PIX_PER_TILE, PIX_PER_TILE)
    ch_lo = c * CH_PER_SC
    ch_hi = ch_lo + CH_PER_SC - 1
    x0 = s * VOX_PER_TILE
    vslice = pl.ds(x0, VOX_PER_TILE)

    vbufs = (v0, v1, v2)
    vsems = (sv0, sv1, sv2)
    grids = (g0, g1, g2)
    wsems = (swb0, swb1, swb2)
    zsems = (sz0, sz1, sz2)

    pltpu.sync_copy(idx_hbm.at[rows], idx1d)

    def _zero_body(k, _):
        zeros[pl.ds(k * 16, 16)] = jnp.zeros((16,), jnp.float32)
        return 0
    lax.fori_loop(0, VOX_PER_TILE // 16, _zero_body, 0)
    for g, sz in zip(grids, zsems):
        pltpu.async_copy(zeros, g.at[vslice], sz)
    pltpu.async_copy(feat_hbm.at[ch_lo, rows], v0, sv0)
    pltpu.async_copy(feat_hbm.at[ch_lo + 1, rows], v1, sv1)

    def _step(ch, k, zero_next):
        vk, svk, gk = vbufs[k], vsems[k], grids[k]
        n = (k + 1) % 3
        vp, svp = vbufs[(k + 2) % 3], vsems[(k + 2) % 3]
        pltpu.make_async_copy(feat_hbm.at[ch, rows], vk, svk).wait()
        pltpu.async_copy(
            feat_hbm.at[jnp.minimum(ch + 2, ch_hi), rows], vp, svp)
        if zero_next:
            pltpu.make_async_copy(grids[n].at[vslice],
                                  out_hbm.at[ch, vslice], wsems[n]).wait()
            pltpu.async_copy(zeros, grids[n].at[vslice], zsems[n])
        pltpu.make_async_copy(zeros, gk.at[vslice], zsems[k]).wait()
        plsc.subcore_barrier()
        pltpu.sync_copy(vk, gk.at[idx1d], add=True)
        plsc.subcore_barrier()
        pltpu.async_copy(gk.at[vslice], out_hbm.at[ch, vslice], wsems[k])

    _step(ch_lo + 0, 0, False)
    _step(ch_lo + 1, 1, False)

    def _trip_body(i, _):
        ch = ch_lo + 2 + 3 * i
        _step(ch + 0, 2, True)
        _step(ch + 1, 0, True)
        _step(ch + 2, 1, True)
        return 0

    lax.fori_loop(0, (CH_PER_SC - 3) // 3, _trip_body, 0)
    _step(ch_hi, 2, True)

    pltpu.make_async_copy(g1.at[vslice], out_hbm.at[ch_hi, vslice], swb1).wait()
    pltpu.make_async_copy(g2.at[vslice], out_hbm.at[ch_hi, vslice], swb2).wait()
    pltpu.make_async_copy(zeros, g0.at[vslice], sz0).wait()
    pltpu.make_async_copy(feat_hbm.at[ch_hi, rows], v0, sv0).wait()
    pltpu.make_async_copy(feat_hbm.at[ch_hi, rows], v1, sv1).wait()


@jax.jit
def kernel(features_2d, projection_indices):
    feat = features_2d.reshape(NCH, NPIX)
    idx = projection_indices.reshape(NPIX)

    mesh = plsc.VectorSubcoreMesh(core_axis_name="c", subcore_axis_name="s")
    run = pl.kernel(
        _sc_scatter,
        mesh=mesh,
        out_type=jax.ShapeDtypeStruct((NCH, VOX), jnp.float32),
        scratch_types=[
            pltpu.VMEM((PIX_PER_TILE,), jnp.float32),
            pltpu.VMEM((PIX_PER_TILE,), jnp.float32),
            pltpu.VMEM((PIX_PER_TILE,), jnp.float32),
            pltpu.VMEM((PIX_PER_TILE,), jnp.int32),
            pltpu.VMEM((VOX_PER_TILE,), jnp.float32),
            pltpu.VMEM_SHARED((VOX,), jnp.float32),
            pltpu.VMEM_SHARED((VOX,), jnp.float32),
            pltpu.VMEM_SHARED((VOX,), jnp.float32),
            pltpu.SemaphoreType.DMA,
            pltpu.SemaphoreType.DMA,
            pltpu.SemaphoreType.DMA,
            pltpu.SemaphoreType.DMA,
            pltpu.SemaphoreType.DMA,
            pltpu.SemaphoreType.DMA,
            pltpu.SemaphoreType.DMA,
            pltpu.SemaphoreType.DMA,
            pltpu.SemaphoreType.DMA,
        ],
    )
    out = run(feat, idx)
    return out.reshape(B, C, 128, 128, 16)

# --- scband reference (transcript-rebuilt; emitter-appended) ---
"""Pipeline reference for scband-project2-dto3-d-89670327206299 (READ-ONLY COPY).

The authoritative reference and input builder live on the scoring server;
editing this copy changes nothing except your own understanding.
"""

import jax, jax.numpy as jnp
import numpy as np

VOXEL_W, VOXEL_H, VOXEL_D = 128, 128, 16


def setup_inputs(seed: int = 0) -> dict:
    key = jax.random.key(seed)
    k1, k2 = jax.random.split(key)
    features_2d = jax.random.normal(k1, (2, 96, 384, 384), dtype=jnp.float32)
    projection_indices = jax.random.randint(
        k2, (384, 384), 0, VOXEL_W * VOXEL_H * VOXEL_D, dtype=jnp.int32
    )
    return {"features_2d": features_2d, "projection_indices": projection_indices}


def reference(features_2d, projection_indices):
    B, C, H, W = features_2d.shape
    V = VOXEL_W * VOXEL_H * VOXEL_D
    features_2d_flat = features_2d.reshape(B, C, H * W)
    proj_flat = projection_indices.reshape(-1)
    # scatter-add pixels into flat voxel grid along last axis (duplicate indices accumulate)
    features_3d_flat = jnp.zeros((B, C, V), dtype=features_2d.dtype).at[:, :, proj_flat].add(
        features_2d_flat
    )
    features_3d = features_3d_flat.reshape(B, C, VOXEL_W, VOXEL_H, VOXEL_D)
    return features_3d

if __name__ == "__main__":
    import jax
    _d = setup_inputs()
    print(jax.jit(kernel)(*tuple(_d.values())))

</pallas_src>

<mosaic_0001>
#map = affine_map<(d0, d1) -> (0, 0)>
#map1 = affine_map<(d0, d1) -> (0)>
module attributes {stable_mosaic.version = 14 : i64} {
  func.func @_sc_scatter(%arg0: i32, %arg1: i32, %arg2: memref<192x147456xf32, #tpu.memory_space<hbm>>, %arg3: memref<147456xi32, #tpu.memory_space<hbm>>, %arg4: memref<192x262144xf32, #tpu.memory_space<hbm>>, %arg5: memref<9216xf32, #tpu.memory_space<vmem>>, %arg6: memref<9216xf32, #tpu.memory_space<vmem>>, %arg7: memref<9216xf32, #tpu.memory_space<vmem>>, %arg8: memref<9216xi32, #tpu.memory_space<vmem>>, %arg9: memref<16384xf32, #tpu.memory_space<vmem>>, %arg10: memref<262144xf32, #tpu.memory_space<vmem_shared>>, %arg11: memref<262144xf32, #tpu.memory_space<vmem_shared>>, %arg12: memref<262144xf32, #tpu.memory_space<vmem_shared>>, %arg13: memref<!tpu.dma_semaphore, #tpu.memory_space<semaphore_mem>>, %arg14: memref<!tpu.dma_semaphore, #tpu.memory_space<semaphore_mem>>, %arg15: memref<!tpu.dma_semaphore, #tpu.memory_space<semaphore_mem>>, %arg16: memref<!tpu.dma_semaphore, #tpu.memory_space<semaphore_mem>>, %arg17: memref<!tpu.dma_semaphore, #tpu.memory_space<semaphore_mem>>, %arg18: memref<!tpu.dma_semaphore, #tpu.memory_space<semaphore_mem>>, %arg19: memref<!tpu.dma_semaphore, #tpu.memory_space<semaphore_mem>>, %arg20: memref<!tpu.dma_semaphore, #tpu.memory_space<semaphore_mem>>, %arg21: memref<!tpu.dma_semaphore, #tpu.memory_space<semaphore_mem>>) attributes {dimension_semantics = [#tpu.dimension_semantics<core_parallel>, #tpu.dimension_semantics<subcore_parallel>], iteration_bounds = array<i64: 2, 16>, scalar_prefetch = 0 : i64, scratch_operands = 17 : i64, tpu.core_type = #tpu.core_type<sc_vector_subcore>, window_params = [{transform_indices = #map}, {transform_indices = #map1}, {transform_indices = #map}]} {
    %mul3A = arith.constant 9216 : i32
    %mul3A_0 = arith.muli %arg1, %mul3A : i32
    %mul3A_1 = arith.constant 96 : i32
    %mul3A_2 = arith.muli %arg0, %mul3A_1 : i32
    %add3A = arith.constant 96 : i32
    %add3A_3 = arith.addi %mul3A_2, %add3A : i32
    %sub3A = arith.constant 1 : i32
    %sub3A_4 = arith.subi %add3A_3, %sub3A : i32
    %mul3A_5 = arith.constant 16384 : i32
    %mul3A_6 = arith.muli %arg1, %mul3A_5 : i32
    "tpu.region"() ({
      %run_scoped3A = tpu.sem_alloc : memref<!tpu.dma_semaphore, #tpu.memory_space<semaphore_mem>>
      %dma_start3A_111 = tpu.memref_slice %arg3[%mul3A_0] : memref<147456xi32, #tpu.memory_space<hbm>> -> memref<9216xi32, #tpu.memory_space<hbm>>
      %dma_start3A_112 = tpu.memref_slice %arg3[%mul3A_0] : memref<147456xi32, #tpu.memory_space<hbm>> -> memref<9216xi32, #tpu.memory_space<hbm>>
      tpu.enqueue_dma source(%dma_start3A_112 : memref<9216xi32, #tpu.memory_space<hbm>>) target(%arg8 : memref<9216xi32, #tpu.memory_space<vmem>>) target_semaphore(%run_scoped3A : memref<!tpu.dma_semaphore, #tpu.memory_space<semaphore_mem>>)
      %dma_wait3A_113 = tpu.memref_slice %arg3[%mul3A_0] : memref<147456xi32, #tpu.memory_space<hbm>> -> memref<9216xi32, #tpu.memory_space<hbm>>
      %dma_wait3A_114 = tpu.memref_slice %arg3[%mul3A_0] : memref<147456xi32, #tpu.memory_space<hbm>> -> memref<9216xi32, #tpu.memory_space<hbm>>
      tpu.wait_dma2 semaphore(%run_scoped3A : memref<!tpu.dma_semaphore, #tpu.memory_space<semaphore_mem>>) src(%dma_wait3A_114 : memref<9216xi32, #tpu.memory_space<hbm>>) dst(%arg8 : memref<9216xi32, #tpu.memory_space<vmem>>)
      tpu.yield
    }) : () -> ()
    %scan3A = arith.constant 0 : i32
    %scan3A_7 = arith.constant 0 : i32
    %scan3A_8 = arith.constant 1024 : i32
    %scan3A_9 = arith.addi %scan3A_7, %scan3A_8 : i32
    %scan3A_10 = arith.constant 1 : i32
    %scan3A_11 = scf.for %scan3A_111 = %scan3A_7 to %scan3A_9 step %scan3A_10 iter_args(%scan3A_112 = %scan3A) -> (i32)  : i32 {
      %broadcast_in_dim3A = arith.constant 0.000000e+00 : f32
      %broadcast_in_dim3A_113 = vector.broadcast %broadcast_in_dim3A : f32 to vector<16xf32>
      %mul3A_114 = arith.constant 16 : i32
      %mul3A_115 = arith.muli %scan3A_111, %mul3A_114 : i32
      %swap3A = arith.index_cast %mul3A_115 : i32 to index
      %swap3A_116 = tpu.vector_load %arg9[%swap3A] {strides = array<i32>} : memref<16384xf32, #tpu.memory_space<vmem>>, vector<16xf32>,
      %swap3A_117 = vector.shape_cast %swap3A_116 : vector<16xf32> to vector<16xf32>
      %swap3A_118 = vector.shape_cast %broadcast_in_dim3A_113 : vector<16xf32> to vector<16xf32>
      tpu.vector_store %arg9[%swap3A], %swap3A_118 {strides = array<i32>} : memref<16384xf32, #tpu.memory_space<vmem>>, vector<16xf32>,
      %scan3A_119 = arith.constant 0 : i32
      scf.yield %scan3A_119 : i32
    }
    %scan3A_12 = arith.constant 1024 : i32
    %dma_start3A = tpu.memref_slice %arg10[%mul3A_6] : memref<262144xf32, #tpu.memory_space<vmem_shared>> -> memref<16384xf32, #tpu.memory_space<vmem_shared>>
    %dma_start3A_13 = tpu.memref_slice %arg10[%mul3A_6] : memref<262144xf32, #tpu.memory_space<vmem_shared>> -> memref<16384xf32, #tpu.memory_space<vmem_shared>>
    tpu.enqueue_dma source(%arg9 : memref<16384xf32, #tpu.memory_space<vmem>>) target(%dma_start3A_13 : memref<16384xf32, #tpu.memory_space<vmem_shared>>) target_semaphore(%arg19 : memref<!tpu.dma_semaphore, #tpu.memory_space<semaphore_mem>>)
    %dma_start3A_14 = tpu.memref_slice %arg11[%mul3A_6] : memref<262144xf32, #tpu.memory_space<vmem_shared>> -> memref<16384xf32, #tpu.memory_space<vmem_shared>>
    %dma_start3A_15 = tpu.memref_slice %arg11[%mul3A_6] : memref<262144xf32, #tpu.memory_space<vmem_shared>> -> memref<16384xf32, #tpu.memory_space<vmem_shared>>
    tpu.enqueue_dma source(%arg9 : memref<16384xf32, #tpu.memory_space<vmem>>) target(%dma_start3A_15 : memref<16384xf32, #tpu.memory_space<vmem_shared>>) target_semaphore(%arg20 : memref<!tpu.dma_semaphore, #tpu.memory_space<semaphore_mem>>)
    %dma_start3A_16 = tpu.memref_slice %arg12[%mul3A_6] : memref<262144xf32, #tpu.memory_space<vmem_shared>> -> memref<16384xf32, #tpu.memory_space<vmem_shared>>
    %dma_start3A_17 = tpu.memref_slice %arg12[%mul3A_6] : memref<262144xf32, #tpu.memory_space<vmem_shared>> -> memref<16384xf32, #tpu.memory_space<vmem_shared>>
    tpu.enqueue_dma source(%arg9 : memref<16384xf32, #tpu.memory_space<vmem>>) target(%dma_start3A_17 : memref<16384xf32, #tpu.memory_space<vmem_shared>>) target_semaphore(%arg21 : memref<!tpu.dma_semaphore, #tpu.memory_space<semaphore_mem>>)
    %dma_start3A_18 = tpu.memref_slice %arg2[%mul3A_2, %mul3A_0] : memref<192x147456xf32, #tpu.memory_space<hbm>> -> memref<1x9216xf32, #tpu.memory_space<hbm>>
    %dma_start3A_19 = tpu.memref_squeeze %dma_start3A_18 : memref<1x9216xf32, #tpu.memory_space<hbm>> -> memref<9216xf32, #tpu.memory_space<hbm>>
    %dma_start3A_20 = tpu.memref_slice %arg2[%mul3A_2, %mul3A_0] : memref<192x147456xf32, #tpu.memory_space<hbm>> -> memref<1x9216xf32, #tpu.memory_space<hbm>>
    %dma_start3A_21 = tpu.memref_squeeze %dma_start3A_20 : memref<1x9216xf32, #tpu.memory_space<hbm>> -> memref<9216xf32, #tpu.memory_space<hbm>>
    tpu.enqueue_dma source(%dma_start3A_21 : memref<9216xf32, #tpu.memory_space<hbm>>) target(%arg5 : memref<9216xf32, #tpu.memory_space<vmem>>) target_semaphore(%arg13 : memref<!tpu.dma_semaphore, #tpu.memory_space<semaphore_mem>>)
    %add3A_22 = arith.constant 1 : i32
    %add3A_23 = arith.addi %mul3A_2, %add3A_22 : i32
    %dma_start3A_24 = tpu.memref_slice %arg2[%add3A_23, %mul3A_0] : memref<192x147456xf32, #tpu.memory_space<hbm>> -> memref<1x9216xf32, #tpu.memory_space<hbm>>
    %dma_start3A_25 = tpu.memref_squeeze %dma_start3A_24 : memref<1x9216xf32, #tpu.memory_space<hbm>> -> memref<9216xf32, #tpu.memory_space<hbm>>
    %dma_start3A_26 = tpu.memref_slice %arg2[%add3A_23, %mul3A_0] : memref<192x147456xf32, #tpu.memory_space<hbm>> -> memref<1x9216xf32, #tpu.memory_space<hbm>>
    %dma_start3A_27 = tpu.memref_squeeze %dma_start3A_26 : memref<1x9216xf32, #tpu.memory_space<hbm>> -> memref<9216xf32, #tpu.memory_space<hbm>>
    tpu.enqueue_dma source(%dma_start3A_27 : memref<9216xf32, #tpu.memory_space<hbm>>) target(%arg6 : memref<9216xf32, #tpu.memory_space<vmem>>) target_semaphore(%arg14 : memref<!tpu.dma_semaphore, #tpu.memory_space<semaphore_mem>>)
    %add3A_28 = arith.constant 0 : i32
    %add3A_29 = arith.addi %mul3A_2, %add3A_28 : i32
    %dma_wait3A = tpu.memref_slice %arg2[%add3A_29, %mul3A_0] : memref<192x147456xf32, #tpu.memory_space<hbm>> -> memref<1x9216xf32, #tpu.memory_space<hbm>>
    %dma_wait3A_30 = tpu.memref_squeeze %dma_wait3A : memref<1x9216xf32, #tpu.memory_space<hbm>> -> memref<9216xf32, #tpu.memory_space<hbm>>
    %dma_wait3A_31 = tpu.memref_slice %arg2[%add3A_29, %mul3A_0] : memref<192x147456xf32, #tpu.memory_space<hbm>> -> memref<1x9216xf32, #tpu.memory_space<hbm>>
    %dma_wait3A_32 = tpu.memref_squeeze %dma_wait3A_31 : memref<1x9216xf32, #tpu.memory_space<hbm>> -> memref<9216xf32, #tpu.memory_space<hbm>>
    tpu.wait_dma2 semaphore(%arg13 : memref<!tpu.dma_semaphore, #tpu.memory_space<semaphore_mem>>) src(%dma_wait3A_32 : memref<9216xf32, #tpu.memory_space<hbm>>) dst(%arg5 : memref<9216xf32, #tpu.memory_space<vmem>>)
    %add3A_33 = arith.constant 2 : i32
    %add3A_34 = arith.addi %add3A_29, %add3A_33 : i32
    %min3A = arith.minsi %add3A_34, %sub3A_4 : i32
    %dma_start3A_35 = tpu.memref_slice %arg2[%min3A, %mul3A_0] : memref<192x147456xf32, #tpu.memory_space<hbm>> -> memref<1x9216xf32, #tpu.memory_space<hbm>>
    %dma_start3A_36 = tpu.memref_squeeze %dma_start3A_35 : memref<1x9216xf32, #tpu.memory_space<hbm>> -> memref<9216xf32, #tpu.memory_space<hbm>>
    %dma_start3A_37 = tpu.memref_slice %arg2[%min3A, %mul3A_0] : memref<192x147456xf32, #tpu.memory_space<hbm>> -> memref<1x9216xf32, #tpu.memory_space<hbm>>
    %dma_start3A_38 = tpu.memref_squeeze %dma_start3A_37 : memref<1x9216xf32, #tpu.memory_space<hbm>> -> memref<9216xf32, #tpu.memory_space<hbm>>
    tpu.enqueue_dma source(%dma_start3A_38 : memref<9216xf32, #tpu.memory_space<hbm>>) target(%arg7 : memref<9216xf32, #tpu.memory_space<vmem>>) target_semaphore(%arg15 : memref<!tpu.dma_semaphore, #tpu.memory_space<semaphore_mem>>)
    %dma_wait3A_39 = tpu.memref_slice %arg10[%mul3A_6] : memref<262144xf32, #tpu.memory_space<vmem_shared>> -> memref<16384xf32, #tpu.memory_space<vmem_shared>>
    %dma_wait3A_40 = tpu.memref_slice %arg10[%mul3A_6] : memref<262144xf32, #tpu.memory_space<vmem_shared>> -> memref<16384xf32, #tpu.memory_space<vmem_shared>>
    tpu.wait_dma2 semaphore(%arg19 : memref<!tpu.dma_semaphore, #tpu.memory_space<semaphore_mem>>) src(%arg9 : memref<16384xf32, #tpu.memory_space<vmem>>) dst(%dma_wait3A_40 : memref<16384xf32, #tpu.memory_space<vmem_shared>>)
    %barrier3A = arith.constant 0 : index
    tpu.barrier barrier_id(%barrier3A)
    "tpu.region"() ({
      %run_scoped3A = tpu.sem_alloc : memref<!tpu.dma_semaphore, #tpu.memory_space<semaphore_mem>>
      %dma_start3A_111 = arith.constant 0 : i32
      %dma_start3A_112 = tpu.memref_slice %arg10[%dma_start3A_111] : memref<262144xf32, #tpu.memory_space<vmem_shared>> -> memref<262144xf32, #tpu.memory_space<vmem_shared>>
      tpu.enqueue_indirect_dma source(%arg5 : memref<9216xf32, #tpu.memory_space<vmem>>) target(%dma_start3A_112 : memref<262144xf32, #tpu.memory_space<vmem_shared>>) offsets(%arg8 : memref<9216xi32, #tpu.memory_space<vmem>>) semaphore(%run_scoped3A : memref<!tpu.dma_semaphore, #tpu.memory_space<semaphore_mem>>) {add = true}
      %dma_wait3A_113 = arith.constant 0 : i32
      %dma_wait3A_114 = tpu.memref_slice %arg10[%dma_wait3A_113] : memref<262144xf32, #tpu.memory_space<vmem_shared>> -> memref<262144xf32, #tpu.memory_space<vmem_shared>>
      tpu.wait_indirect_dma semaphore(%run_scoped3A : memref<!tpu.dma_semaphore, #tpu.memory_space<semaphore_mem>>) src(%arg5 : memref<9216xf32, #tpu.memory_space<vmem>>) dst(%dma_wait3A_114 : memref<262144xf32, #tpu.memory_space<vmem_shared>>)
      tpu.yield
    }) : () -> ()
    %barrier3A_41 = arith.constant 0 : index
    tpu.barrier barrier_id(%barrier3A_41)
    %dma_start3A_42 = tpu.memref_slice %arg4[%add3A_29, %mul3A_6] : memref<192x262144xf32, #tpu.memory_space<hbm>> -> memref<1x16384xf32, #tpu.memory_space<hbm>>
    %dma_start3A_43 = tpu.memref_squeeze %dma_start3A_42 : memref<1x16384xf32, #tpu.memory_space<hbm>> -> memref<16384xf32, #tpu.memory_space<hbm>>
    %dma_start3A_44 = tpu.memref_slice %arg10[%mul3A_6] : memref<262144xf32, #tpu.memory_space<vmem_shared>> -> memref<16384xf32, #tpu.memory_space<vmem_shared>>
    tpu.enqueue_dma source(%dma_start3A_44 : memref<16384xf32, #tpu.memory_space<vmem_shared>>) target(%dma_start3A_43 : memref<16384xf32, #tpu.memory_space<hbm>>) target_semaphore(%arg16 : memref<!tpu.dma_semaphore, #tpu.memory_space<semaphore_mem>>)
    %add3A_45 = arith.constant 1 : i32
    %add3A_46 = arith.addi %mul3A_2, %add3A_45 : i32
    %dma_wait3A_47 = tpu.memref_slice %arg2[%add3A_46, %mul3A_0] : memref<192x147456xf32, #tpu.memory_space<hbm>> -> memref<1x9216xf32, #tpu.memory_space<hbm>>
    %dma_wait3A_48 = tpu.memref_squeeze %dma_wait3A_47 : memref<1x9216xf32, #tpu.memory_space<hbm>> -> memref<9216xf32, #tpu.memory_space<hbm>>
    %dma_wait3A_49 = tpu.memref_slice %arg2[%add3A_46, %mul3A_0] : memref<192x147456xf32, #tpu.memory_space<hbm>> -> memref<1x9216xf32, #tpu.memory_space<hbm>>
    %dma_wait3A_50 = tpu.memref_squeeze %dma_wait3A_49 : memref<1x9216xf32, #tpu.memory_space<hbm>> -> memref<9216xf32, #tpu.memory_space<hbm>>
    tpu.wait_dma2 semaphore(%arg14 : memref<!tpu.dma_semaphore, #tpu.memory_space<semaphore_mem>>) src(%dma_wait3A_50 : memref<9216xf32, #tpu.memory_space<hbm>>) dst(%arg6 : memref<9216xf32, #tpu.memory_space<vmem>>)
    %add3A_51 = arith.constant 2 : i32
    %add3A_52 = arith.addi %add3A_46, %add3A_51 : i32
    %min3A_53 = arith.minsi %add3A_52, %sub3A_4 : i32
    %dma_start3A_54 = tpu.memref_slice %arg2[%min3A_53, %mul3A_0] : memref<192x147456xf32, #tpu.memory_space<hbm>> -> memref<1x9216xf32, #tpu.memory_space<hbm>>
    %dma_start3A_55 = tpu.memref_squeeze %dma_start3A_54 : memref<1x9216xf32, #tpu.memory_space<hbm>> -> memref<9216xf32, #tpu.memory_space<hbm>>
    %dma_start3A_56 = tpu.memref_slice %arg2[%min3A_53, %mul3A_0] : memref<192x147456xf32, #tpu.memory_space<hbm>> -> memref<1x9216xf32, #tpu.memory_space<hbm>>
    %dma_start3A_57 = tpu.memref_squeeze %dma_start3A_56 : memref<1x9216xf32, #tpu.memory_space<hbm>> -> memref<9216xf32, #tpu.memory_space<hbm>>
    tpu.enqueue_dma source(%dma_start3A_57 : memref<9216xf32, #tpu.memory_space<hbm>>) target(%arg5 : memref<9216xf32, #tpu.memory_space<vmem>>) target_semaphore(%arg13 : memref<!tpu.dma_semaphore, #tpu.memory_space<semaphore_mem>>)
    %dma_wait3A_58 = tpu.memref_slice %arg11[%mul3A_6] : memref<262144xf32, #tpu.memory_space<vmem_shared>> -> memref<16384xf32, #tpu.memory_space<vmem_shared>>
    %dma_wait3A_59 = tpu.memref_slice %arg11[%mul3A_6] : memref<262144xf32, #tpu.memory_space<vmem_shared>> -> memref<16384xf32, #tpu.memory_space<vmem_shared>>
    tpu.wait_dma2 semaphore(%arg20 : memref<!tpu.dma_semaphore, #tpu.memory_space<semaphore_mem>>) src(%arg9 : memref<16384xf32, #tpu.memory_space<vmem>>) dst(%dma_wait3A_59 : memref<16384xf32, #tpu.memory_space<vmem_shared>>)
    %barrier3A_60 = arith.constant 0 : index
    tpu.barrier barrier_id(%barrier3A_60)
    "tpu.region"() ({
      %run_scoped3A = tpu.sem_alloc : memref<!tpu.dma_semaphore, #tpu.memory_space<semaphore_mem>>
      %dma_start3A_111 = arith.constant 0 : i32
      %dma_start3A_112 = tpu.memref_slice %arg11[%dma_start3A_111] : memref<262144xf32, #tpu.memory_space<vmem_shared>> -> memref<262144xf32, #tpu.memory_space<vmem_shared>>
      tpu.enqueue_indirect_dma source(%arg6 : memref<9216xf32, #tpu.memory_space<vmem>>) target(%dma_start3A_112 : memref<262144xf32, #tpu.memory_space<vmem_shared>>) offsets(%arg8 : memref<9216xi32, #tpu.memory_space<vmem>>) semaphore(%run_scoped3A : memref<!tpu.dma_semaphore, #tpu.memory_space<semaphore_mem>>) {add = true}
      %dma_wait3A_113 = arith.constant 0 : i32
      %dma_wait3A_114 = tpu.memref_slice %arg11[%dma_wait3A_113] : memref<262144xf32, #tpu.memory_space<vmem_shared>> -> memref<262144xf32, #tpu.memory_space<vmem_shared>>
      tpu.wait_indirect_dma semaphore(%run_scoped3A : memref<!tpu.dma_semaphore, #tpu.memory_space<semaphore_mem>>) src(%arg6 : memref<9216xf32, #tpu.memory_space<vmem>>) dst(%dma_wait3A_114 : memref<262144xf32, #tpu.memory_space<vmem_shared>>)
      tpu.yield
    }) : () -> ()
    %barrier3A_61 = arith.constant 0 : index
    tpu.barrier barrier_id(%barrier3A_61)
    %dma_start3A_62 = tpu.memref_slice %arg4[%add3A_46, %mul3A_6] : memref<192x262144xf32, #tpu.memory_space<hbm>> -> memref<1x16384xf32, #tpu.memory_space<hbm>>
    %dma_start3A_63 = tpu.memref_squeeze %dma_start3A_62 : memref<1x16384xf32, #tpu.memory_space<hbm>> -> memref<16384xf32, #tpu.memory_space<hbm>>
    %dma_start3A_64 = tpu.memref_slice %arg11[%mul3A_6] : memref<262144xf32, #tpu.memory_space<vmem_shared>> -> memref<16384xf32, #tpu.memory_space<vmem_shared>>
    tpu.enqueue_dma source(%dma_start3A_64 : memref<16384xf32, #tpu.memory_space<vmem_shared>>) target(%dma_start3A_63 : memref<16384xf32, #tpu.memory_space<hbm>>) target_semaphore(%arg17 : memref<!tpu.dma_semaphore, #tpu.memory_space<semaphore_mem>>)
    %scan3A_65 = arith.constant 0 : i32
    %scan3A_66 = arith.constant 0 : i32
    %scan3A_67 = arith.constant 31 : i32
    %scan3A_68 = arith.addi %scan3A_66, %scan3A_67 : i32
    %scan3A_69 = arith.constant 1 : i32
    %scan3A_70 = scf.for %scan3A_111 = %scan3A_66 to %scan3A_68 step %scan3A_69 iter_args(%scan3A_112 = %scan3A_65) -> (i32)  : i32 {
      %add3A_113 = arith.constant 2 : i32
      %add3A_114 = arith.addi %mul3A_2, %add3A_113 : i32
      %mul3A_115 = arith.constant 3 : i32
      %mul3A_116 = arith.muli %mul3A_115, %scan3A_111 : i32
      %add3A_117 = arith.addi %add3A_114, %mul3A_116 : i32
      %add3A_118 = arith.constant 0 : i32
      %add3A_119 = arith.addi %add3A_117, %add3A_118 : i32
      %dma_wait3A_120 = tpu.memref_slice %arg2[%add3A_119, %mul3A_0] : memref<192x147456xf32, #tpu.memory_space<hbm>> -> memref<1x9216xf32, #tpu.memory_space<hbm>>
      %dma_wait3A_121 = tpu.memref_squeeze %dma_wait3A_120 : memref<1x9216xf32, #tpu.memory_space<hbm>> -> memref<9216xf32, #tpu.memory_space<hbm>>
      %dma_wait3A_122 = tpu.memref_slice %arg2[%add3A_119, %mul3A_0] : memref<192x147456xf32, #tpu.memory_space<hbm>> -> memref<1x9216xf32, #tpu.memory_space<hbm>>
      %dma_wait3A_123 = tpu.memref_squeeze %dma_wait3A_122 : memref<1x9216xf32, #tpu.memory_space<hbm>> -> memref<9216xf32, #tpu.memory_space<hbm>>
      tpu.wait_dma2 semaphore(%arg15 : memref<!tpu.dma_semaphore, #tpu.memory_space<semaphore_mem>>) src(%dma_wait3A_123 : memref<9216xf32, #tpu.memory_space<hbm>>) dst(%arg7 : memref<9216xf32, #tpu.memory_space<vmem>>)
      %add3A_124 = arith.constant 2 : i32
      %add3A_125 = arith.addi %add3A_119, %add3A_124 : i32
      %min3A_126 = arith.minsi %add3A_125, %sub3A_4 : i32
      %dma_start3A_127 = tpu.memref_slice %arg2[%min3A_126, %mul3A_0] : memref<192x147456xf32, #tpu.memory_space<hbm>> -> memref<1x9216xf32, #tpu.memory_space<hbm>>
      %dma_start3A_128 = tpu.memref_squeeze %dma_start3A_127 : memref<1x9216xf32, #tpu.memory_space<hbm>> -> memref<9216xf32, #tpu.memory_space<hbm>>
      %dma_start3A_129 = tpu.memref_slice %arg2[%min3A_126, %mul3A_0] : memref<192x147456xf32, #tpu.memory_space<hbm>> -> memref<1x9216xf32, #tpu.memory_space<hbm>>
      %dma_start3A_130 = tpu.memref_squeeze %dma_start3A_129 : memref<1x9216xf32, #tpu.memory_space<hbm>> -> memref<9216xf32, #tpu.memory_space<hbm>>
      tpu.enqueue_dma source(%dma_start3A_130 : memref<9216xf32, #tpu.memory_space<hbm>>) target(%arg6 : memref<9216xf32, #tpu.memory_space<vmem>>) target_semaphore(%arg14 : memref<!tpu.dma_semaphore, #tpu.memory_space<semaphore_mem>>)
      %dma_wait3A_131 = tpu.memref_slice %arg4[%add3A_119, %mul3A_6] : memref<192x262144xf32, #tpu.memory_space<hbm>> -> memref<1x16384xf32, #tpu.memory_space<hbm>>
      %dma_wait3A_132 = tpu.memref_squeeze %dma_wait3A_131 : memref<1x16384xf32, #tpu.memory_space<hbm>> -> memref<16384xf32, #tpu.memory_space<hbm>>
      %dma_wait3A_133 = tpu.memref_slice %arg10[%mul3A_6] : memref<262144xf32, #tpu.memory_space<vmem_shared>> -> memref<16384xf32, #tpu.memory_space<vmem_shared>>
      tpu.wait_dma2 semaphore(%arg16 : memref<!tpu.dma_semaphore, #tpu.memory_space<semaphore_mem>>) src(%dma_wait3A_133 : memref<16384xf32, #tpu.memory_space<vmem_shared>>) dst(%dma_wait3A_132 : memref<16384xf32, #tpu.memory_space<hbm>>)
      %dma_start3A_134 = tpu.memref_slice %arg10[%mul3A_6] : memref<262144xf32, #tpu.memory_space<vmem_shared>> -> memref<16384xf32, #tpu.memory_space<vmem_shared>>
      %dma_start3A_135 = tpu.memref_slice %arg10[%mul3A_6] : memref<262144xf32, #tpu.memory_space<vmem_shared>> -> memref<16384xf32, #tpu.memory_space<vmem_shared>>
      tpu.enqueue_dma source(%arg9 : memref<16384xf32, #tpu.memory_space<vmem>>) target(%dma_start3A_135 : memref<16384xf32, #tpu.memory_space<vmem_shared>>) target_semaphore(%arg19 : memref<!tpu.dma_semaphore, #tpu.memory_space<semaphore_mem>>)
      %dma_wait3A_136 = tpu.memref_slice %arg12[%mul3A_6] : memref<262144xf32, #tpu.memory_space<vmem_shared>> -> memref<16384xf32, #tpu.memory_space<vmem_shared>>
      %dma_wait3A_137 = tpu.memref_slice %arg12[%mul3A_6] : memref<262144xf32, #tpu.memory_space<vmem_shared>> -> memref<16384xf32, #tpu.memory_space<vmem_shared>>
      tpu.wait_dma2 semaphore(%arg21 : memref<!tpu.dma_semaphore, #tpu.memory_space<semaphore_mem>>) src(%arg9 : memref<16384xf32, #tpu.memory_space<vmem>>) dst(%dma_wait3A_137 : memref<16384xf32, #tpu.memory_space<vmem_shared>>)
      %barrier3A_138 = arith.constant 0 : index
      tpu.barrier barrier_id(%barrier3A_138)
      "tpu.region"() ({
        %run_scoped3A = tpu.sem_alloc : memref<!tpu.dma_semaphore, #tpu.memory_space<semaphore_mem>>
        %dma_start3A_194 = arith.constant 0 : i32
        %dma_start3A_195 = tpu.memref_slice %arg12[%dma_start3A_194] : memref<262144xf32, #tpu.memory_space<vmem_shared>> -> memref<262144xf32, #tpu.memory_space<vmem_shared>>
        tpu.enqueue_indirect_dma source(%arg7 : memref<9216xf32, #tpu.memory_space<vmem>>) target(%dma_start3A_195 : memref<262144xf32, #tpu.memory_space<vmem_shared>>) offsets(%arg8 : memref<9216xi32, #tpu.memory_space<vmem>>) semaphore(%run_scoped3A : memref<!tpu.dma_semaphore, #tpu.memory_space<semaphore_mem>>) {add = true}
        %dma_wait3A_196 = arith.constant 0 : i32
        %dma_wait3A_197 = tpu.memref_slice %arg12[%dma_wait3A_196] : memref<262144xf32, #tpu.memory_space<vmem_shared>> -> memref<262144xf32, #tpu.memory_space<vmem_shared>>
        tpu.wait_indirect_dma semaphore(%run_scoped3A : memref<!tpu.dma_semaphore, #tpu.memory_space<semaphore_mem>>) src(%arg7 : memref<9216xf32, #tpu.memory_space<vmem>>) dst(%dma_wait3A_197 : memref<262144xf32, #tpu.memory_space<vmem_shared>>)
        tpu.yield
      }) : () -> ()
      %barrier3A_139 = arith.constant 0 : index
      tpu.barrier barrier_id(%barrier3A_139)
      %dma_start3A_140 = tpu.memref_slice %arg4[%add3A_119, %mul3A_6] : memref<192x262144xf32, #tpu.memory_space<hbm>> -> memref<1x16384xf32, #tpu.memory_space<hbm>>
      %dma_start3A_141 = tpu.memref_squeeze %dma_start3A_140 : memref<1x16384xf32, #tpu.memory_space<hbm>> -> memref<16384xf32, #tpu.memory_space<hbm>>
      %dma_start3A_142 = tpu.memref_slice %arg12[%mul3A_6] : memref<262144xf32, #tpu.memory_space<vmem_shared>> -> memref<16384xf32, #tpu.memory_space<vmem_shared>>
      tpu.enqueue_dma source(%dma_start3A_142 : memref<16384xf32, #tpu.memory_space<vmem_shared>>) target(%dma_start3A_141 : memref<16384xf32, #tpu.memory_space<hbm>>) target_semaphore(%arg18 : memref<!tpu.dma_semaphore, #tpu.memory_space<semaphore_mem>>)
      %add3A_143 = arith.constant 1 : i32
      %add3A_144 = arith.addi %add3A_117, %add3A_143 : i32
      %dma_wait3A_145 = tpu.memref_slice %arg2[%add3A_144, %mul3A_0] : memref<192x147456xf32, #tpu.memory_space<hbm>> -> memref<1x9216xf32, #tpu.memory_space<hbm>>
      %dma_wait3A_146 = tpu.memref_squeeze %dma_wait3A_145 : memref<1x9216xf32, #tpu.memory_space<hbm>> -> memref<9216xf32, #tpu.memory_space<hbm>>
      %dma_wait3A_147 = tpu.memref_slice %arg2[%add3A_144, %mul3A_0] : memref<192x147456xf32, #tpu.memory_space<hbm>> -> memref<1x9216xf32, #tpu.memory_space<hbm>>
      %dma_wait3A_148 = tpu.memref_squeeze %dma_wait3A_147 : memref<1x9216xf32, #tpu.memory_space<hbm>> -> memref<9216xf32, #tpu.memory_space<hbm>>
      tpu.wait_dma2 semaphore(%arg13 : memref<!tpu.dma_semaphore, #tpu.memory_space<semaphore_mem>>) src(%dma_wait3A_148 : memref<9216xf32, #tpu.memory_space<hbm>>) dst(%arg5 : memref<9216xf32, #tpu.memory_space<vmem>>)
      %add3A_149 = arith.constant 2 : i32
      %add3A_150 = arith.addi %add3A_144, %add3A_149 : i32
      %min3A_151 = arith.minsi %add3A_150, %sub3A_4 : i32
      %dma_start3A_152 = tpu.memref_slice %arg2[%min3A_151, %mul3A_0] : memref<192x147456xf32, #tpu.memory_space<hbm>> -> memref<1x9216xf32, #tpu.memory_space<hbm>>
      %dma_start3A_153 = tpu.memref_squeeze %dma_start3A_152 : memref<1x9216xf32, #tpu.memory_space<hbm>> -> memref<9216xf32, #tpu.memory_space<hbm>>
      %dma_start3A_154 = tpu.memref_slice %arg2[%min3A_151, %mul3A_0] : memref<192x147456xf32, #tpu.memory_space<hbm>> -> memref<1x9216xf32, #tpu.memory_space<hbm>>
      %dma_start3A_155 = tpu.memref_squeeze %dma_start3A_154 : memref<1x9216xf32, #tpu.memory_space<hbm>> -> memref<9216xf32, #tpu.memory_space<hbm>>
      tpu.enqueue_dma source(%dma_start3A_155 : memref<9216xf32, #tpu.memory_space<hbm>>) target(%arg7 : memref<9216xf32, #tpu.memory_space<vmem>>) target_semaphore(%arg15 : memref<!tpu.dma_semaphore, #tpu.memory_space<semaphore_mem>>)
      %dma_wait3A_156 = tpu.memref_slice %arg4[%add3A_144, %mul3A_6] : memref<192x262144xf32, #tpu.memory_space<hbm>> -> memref<1x16384xf32, #tpu.memory_space<hbm>>
      %dma_wait3A_157 = tpu.memref_squeeze %dma_wait3A_156 : memref<1x16384xf32, #tpu.memory_space<hbm>> -> memref<16384xf32, #tpu.memory_space<hbm>>
      %dma_wait3A_158 = tpu.memref_slice %arg11[%mul3A_6] : memref<262144xf32, #tpu.memory_space<vmem_shared>> -> memref<16384xf32, #tpu.memory_space<vmem_shared>>
      tpu.wait_dma2 semaphore(%arg17 : memref<!tpu.dma_semaphore, #tpu.memory_space<semaphore_mem>>) src(%dma_wait3A_158 : memref<16384xf32, #tpu.memory_space<vmem_shared>>) dst(%dma_wait3A_157 : memref<16384xf32, #tpu.memory_space<hbm>>)
      %dma_start3A_159 = tpu.memref_slice %arg11[%mul3A_6] : memref<262144xf32, #tpu.memory_space<vmem_shared>> -> memref<16384xf32, #tpu.memory_space<vmem_shared>>
      %dma_start3A_160 = tpu.memref_slice %arg11[%mul3A_6] : memref<262144xf32, #tpu.memory_space<vmem_shared>> -> memref<16384xf32, #tpu.memory_space<vmem_shared>>
      tpu.enqueue_dma source(%arg9 : memref<16384xf32, #tpu.memory_space<vmem>>) target(%dma_start3A_160 : memref<16384xf32, #tpu.memory_space<vmem_shared>>) target_semaphore(%arg20 : memref<!tpu.dma_semaphore, #tpu.memory_space<semaphore_mem>>)
      %dma_wait3A_161 = tpu.memref_slice %arg10[%mul3A_6] : memref<262144xf32, #tpu.memory_space<vmem_shared>> -> memref<16384xf32, #tpu.memory_space<vmem_shared>>
      %dma_wait3A_162 = tpu.memref_slice %arg10[%mul3A_6] : memref<262144xf32, #tpu.memory_space<vmem_shared>> -> memref<16384xf32, #tpu.memory_space<vmem_shared>>
      tpu.wait_dma2 semaphore(%arg19 : memref<!tpu.dma_semaphore, #tpu.memory_space<semaphore_mem>>) src(%arg9 : memref<16384xf32, #tpu.memory_space<vmem>>) dst(%dma_wait3A_162 : memref<16384xf32, #tpu.memory_space<vmem_shared>>)
      %barrier3A_163 = arith.constant 0 : index
      tpu.barrier barrier_id(%barrier3A_163)
      "tpu.region"() ({
        %run_scoped3A = tpu.sem_alloc : memref<!tpu.dma_semaphore, #tpu.memory_space<semaphore_mem>>
        %dma_start3A_194 = arith.constant 0 : i32
        %dma_start3A_195 = tpu.memref_slice %arg10[%dma_start3A_194] : memref<262144xf32, #tpu.memory_space<vmem_shared>> -> memref<262144xf32, #tpu.memory_space<vmem_shared>>
        tpu.enqueue_indirect_dma source(%arg5 : memref<9216xf32, #tpu.memory_space<vmem>>) target(%dma_start3A_195 : memref<262144xf32, #tpu.memory_space<vmem_shared>>) offsets(%arg8 : memref<9216xi32, #tpu.memory_space<vmem>>) semaphore(%run_scoped3A : memref<!tpu.dma_semaphore, #tpu.memory_space<semaphore_mem>>) {add = true}
        %dma_wait3A_196 = arith.constant 0 : i32
        %dma_wait3A_197 = tpu.memref_slice %arg10[%dma_wait3A_196] : memref<262144xf32, #tpu.memory_space<vmem_shared>> -> memref<262144xf32, #tpu.memory_space<vmem_shared>>
        tpu.wait_indirect_dma semaphore(%run_scoped3A : memref<!tpu.dma_semaphore, #tpu.memory_space<semaphore_mem>>) src(%arg5 : memref<9216xf32, #tpu.memory_space<vmem>>) dst(%dma_wait3A_197 : memref<262144xf32, #tpu.memory_space<vmem_shared>>)
        tpu.yield
      }) : () -> ()
      %barrier3A_164 = arith.constant 0 : index
      tpu.barrier barrier_id(%barrier3A_164)
      %dma_start3A_165 = tpu.memref_slice %arg4[%add3A_144, %mul3A_6] : memref<192x262144xf32, #tpu.memory_space<hbm>> -> memref<1x16384xf32, #tpu.memory_space<hbm>>
      %dma_start3A_166 = tpu.memref_squeeze %dma_start3A_165 : memref<1x16384xf32, #tpu.memory_space<hbm>> -> memref<16384xf32, #tpu.memory_space<hbm>>
      %dma_start3A_167 = tpu.memref_slice %arg10[%mul3A_6] : memref<262144xf32, #tpu.memory_space<vmem_shared>> -> memref<16384xf32, #tpu.memory_space<vmem_shared>>
      tpu.enqueue_dma source(%dma_start3A_167 : memref<16384xf32, #tpu.memory_space<vmem_shared>>) target(%dma_start3A_166 : memref<16384xf32, #tpu.memory_space<hbm>>) target_semaphore(%arg16 : memref<!tpu.dma_semaphore, #tpu.memory_space<semaphore_mem>>)
      %add3A_168 = arith.constant 2 : i32
      %add3A_169 = arith.addi %add3A_117, %add3A_168 : i32
      %dma_wait3A_170 = tpu.memref_slice %arg2[%add3A_169, %mul3A_0] : memref<192x147456xf32, #tpu.memory_space<hbm>> -> memref<1x9216xf32, #tpu.memory_space<hbm>>
      %dma_wait3A_171 = tpu.memref_squeeze %dma_wait3A_170 : memref<1x9216xf32, #tpu.memory_space<hbm>> -> memref<9216xf32, #tpu.memory_space<hbm>>
      %dma_wait3A_172 = tpu.memref_slice %arg2[%add3A_169, %mul3A_0] : memref<192x147456xf32, #tpu.memory_space<hbm>> -> memref<1x9216xf32, #tpu.memory_space<hbm>>
      %dma_wait3A_173 = tpu.memref_squeeze %dma_wait3A_172 : memref<1x9216xf32, #tpu.memory_space<hbm>> -> memref<9216xf32, #tpu.memory_space<hbm>>
      tpu.wait_dma2 semaphore(%arg14 : memref<!tpu.dma_semaphore, #tpu.memory_space<semaphore_mem>>) src(%dma_wait3A_173 : memref<9216xf32, #tpu.memory_space<hbm>>) dst(%arg6 : memref<9216xf32, #tpu.memory_space<vmem>>)
      %add3A_174 = arith.constant 2 : i32
      %add3A_175 = arith.addi %add3A_169, %add3A_174 : i32
      %min3A_176 = arith.minsi %add3A_175, %sub3A_4 : i32
      %dma_start3A_177 = tpu.memref_slice %arg2[%min3A_176, %mul3A_0] : memref<192x147456xf32, #tpu.memory_space<hbm>> -> memref<1x9216xf32, #tpu.memory_space<hbm>>
      %dma_start3A_178 = tpu.memref_squeeze %dma_start3A_177 : memref<1x9216xf32, #tpu.memory_space<hbm>> -> memref<9216xf32, #tpu.memory_space<hbm>>
      %dma_start3A_179 = tpu.memref_slice %arg2[%min3A_176, %mul3A_0] : memref<192x147456xf32, #tpu.memory_space<hbm>> -> memref<1x9216xf32, #tpu.memory_space<hbm>>
      %dma_start3A_180 = tpu.memref_squeeze %dma_start3A_179 : memref<1x9216xf32, #tpu.memory_space<hbm>> -> memref<9216xf32, #tpu.memory_space<hbm>>
      tpu.enqueue_dma source(%dma_start3A_180 : memref<9216xf32, #tpu.memory_space<hbm>>) target(%arg5 : memref<9216xf32, #tpu.memory_space<vmem>>) target_semaphore(%arg13 : memref<!tpu.dma_semaphore, #tpu.memory_space<semaphore_mem>>)
      %dma_wait3A_181 = tpu.memref_slice %arg4[%add3A_169, %mul3A_6] : memref<192x262144xf32, #tpu.memory_space<hbm>> -> memref<1x16384xf32, #tpu.memory_space<hbm>>
      %dma_wait3A_182 = tpu.memref_squeeze %dma_wait3A_181 : memref<1x16384xf32, #tpu.memory_space<hbm>> -> memref<16384xf32, #tpu.memory_space<hbm>>
      %dma_wait3A_183 = tpu.memref_slice %arg12[%mul3A_6] : memref<262144xf32, #tpu.memory_space<vmem_shared>> -> memref<16384xf32, #tpu.memory_space<vmem_shared>>
      tpu.wait_dma2 semaphore(%arg18 : memref<!tpu.dma_semaphore, #tpu.memory_space<semaphore_mem>>) src(%dma_wait3A_183 : memref<16384xf32, #tpu.memory_space<vmem_shared>>) dst(%dma_wait3A_182 : memref<16384xf32, #tpu.memory_space<hbm>>)
      %dma_start3A_184 = tpu.memref_slice %arg12[%mul3A_6] : memref<262144xf32, #tpu.memory_space<vmem_shared>> -> memref<16384xf32, #tpu.memory_space<vmem_shared>>
      %dma_start3A_185 = tpu.memref_slice %arg12[%mul3A_6] : memref<262144xf32, #tpu.memory_space<vmem_shared>> -> memref<16384xf32, #tpu.memory_space<vmem_shared>>
      tpu.enqueue_dma source(%arg9 : memref<16384xf32, #tpu.memory_space<vmem>>) target(%dma_start3A_185 : memref<16384xf32, #tpu.memory_space<vmem_shared>>) target_semaphore(%arg21 : memref<!tpu.dma_semaphore, #tpu.memory_space<semaphore_mem>>)
      %dma_wait3A_186 = tpu.memref_slice %arg11[%mul3A_6] : memref<262144xf32, #tpu.memory_space<vmem_shared>> -> memref<16384xf32, #tpu.memory_space<vmem_shared>>
      %dma_wait3A_187 = tpu.memref_slice %arg11[%mul3A_6] : memref<262144xf32, #tpu.memory_space<vmem_shared>> -> memref<16384xf32, #tpu.memory_space<vmem_shared>>
      tpu.wait_dma2 semaphore(%arg20 : memref<!tpu.dma_semaphore, #tpu.memory_space<semaphore_mem>>) src(%arg9 : memref<16384xf32, #tpu.memory_space<vmem>>) dst(%dma_wait3A_187 : memref<16384xf32, #tpu.memory_space<vmem_shared>>)
      %barrier3A_188 = arith.constant 0 : index
      tpu.barrier barrier_id(%barrier3A_188)
      "tpu.region"() ({
        %run_scoped3A = tpu.sem_alloc : memref<!tpu.dma_semaphore, #tpu.memory_space<semaphore_mem>>
        %dma_start3A_194 = arith.constant 0 : i32
        %dma_start3A_195 = tpu.memref_slice %arg11[%dma_start3A_194] : memref<262144xf32, #tpu.memory_space<vmem_shared>> -> memref<262144xf32, #tpu.memory_space<vmem_shared>>
        tpu.enqueue_indirect_dma source(%arg6 : memref<9216xf32, #tpu.memory_space<vmem>>) target(%dma_start3A_195 : memref<262144xf32, #tpu.memory_space<vmem_shared>>) offsets(%arg8 : memref<9216xi32, #tpu.memory_space<vmem>>) semaphore(%run_scoped3A : memref<!tpu.dma_semaphore, #tpu.memory_space<semaphore_mem>>) {add = true}
        %dma_wait3A_196 = arith.constant 0 : i32
        %dma_wait3A_197 = tpu.memref_slice %arg11[%dma_wait3A_196] : memref<262144xf32, #tpu.memory_space<vmem_shared>> -> memref<262144xf32, #tpu.memory_space<vmem_shared>>
        tpu.wait_indirect_dma semaphore(%run_scoped3A : memref<!tpu.dma_semaphore, #tpu.memory_space<semaphore_mem>>) src(%arg6 : memref<9216xf32, #tpu.memory_space<vmem>>) dst(%dma_wait3A_197 : memref<262144xf32, #tpu.memory_space<vmem_shared>>)
        tpu.yield
      }) : () -> ()
      %barrier3A_189 = arith.constant 0 : index
      tpu.barrier barrier_id(%barrier3A_189)
      %dma_start3A_190 = tpu.memref_slice %arg4[%add3A_169, %mul3A_6] : memref<192x262144xf32, #tpu.memory_space<hbm>> -> memref<1x16384xf32, #tpu.memory_space<hbm>>
      %dma_start3A_191 = tpu.memref_squeeze %dma_start3A_190 : memref<1x16384xf32, #tpu.memory_space<hbm>> -> memref<16384xf32, #tpu.memory_space<hbm>>
      %dma_start3A_192 = tpu.memref_slice %arg11[%mul3A_6] : memref<262144xf32, #tpu.memory_space<vmem_shared>> -> memref<16384xf32, #tpu.memory_space<vmem_shared>>
      tpu.enqueue_dma source(%dma_start3A_192 : memref<16384xf32, #tpu.memory_space<vmem_shared>>) target(%dma_start3A_191 : memref<16384xf32, #tpu.memory_space<hbm>>) target_semaphore(%arg17 : memref<!tpu.dma_semaphore, #tpu.memory_space<semaphore_mem>>)
      %scan3A_193 = arith.constant 0 : i32
      scf.yield %scan3A_193 : i32
    }
    %scan3A_71 = arith.constant 31 : i32
    %dma_wait3A_72 = tpu.memref_slice %arg2[%sub3A_4, %mul3A_0] : memref<192x147456xf32, #tpu.memory_space<hbm>> -> memref<1x9216xf32, #tpu.memory_space<hbm>>
    %dma_wait3A_73 = tpu.memref_squeeze %dma_wait3A_72 : memref<1x9216xf32, #tpu.memory_space<hbm>> -> memref<9216xf32, #tpu.memory_space<hbm>>
    %dma_wait3A_74 = tpu.memref_slice %arg2[%sub3A_4, %mul3A_0] : memref<192x147456xf32, #tpu.memory_space<hbm>> -> memref<1x9216xf32, #tpu.memory_space<hbm>>
    %dma_wait3A_75 = tpu.memref_squeeze %dma_wait3A_74 : memref<1x9216xf32, #tpu.memory_space<hbm>> -> memref<9216xf32, #tpu.memory_space<hbm>>
    tpu.wait_dma2 semaphore(%arg15 : memref<!tpu.dma_semaphore, #tpu.memory_space<semaphore_mem>>) src(%dma_wait3A_75 : memref<9216xf32, #tpu.memory_space<hbm>>) dst(%arg7 : memref<9216xf32, #tpu.memory_space<vmem>>)
    %add3A_76 = arith.constant 2 : i32
    %add3A_77 = arith.addi %sub3A_4, %add3A_76 : i32
    %min3A_78 = arith.minsi %add3A_77, %sub3A_4 : i32
    %dma_start3A_79 = tpu.memref_slice %arg2[%min3A_78, %mul3A_0] : memref<192x147456xf32, #tpu.memory_space<hbm>> -> memref<1x9216xf32, #tpu.memory_space<hbm>>
    %dma_start3A_80 = tpu.memref_squeeze %dma_start3A_79 : memref<1x9216xf32, #tpu.memory_space<hbm>> -> memref<9216xf32, #tpu.memory_space<hbm>>
    %dma_start3A_81 = tpu.memref_slice %arg2[%min3A_78, %mul3A_0] : memref<192x147456xf32, #tpu.memory_space<hbm>> -> memref<1x9216xf32, #tpu.memory_space<hbm>>
    %dma_start3A_82 = tpu.memref_squeeze %dma_start3A_81 : memref<1x9216xf32, #tpu.memory_space<hbm>> -> memref<9216xf32, #tpu.memory_space<hbm>>
    tpu.enqueue_dma source(%dma_start3A_82 : memref<9216xf32, #tpu.memory_space<hbm>>) target(%arg6 : memref<9216xf32, #tpu.memory_space<vmem>>) target_semaphore(%arg14 : memref<!tpu.dma_semaphore, #tpu.memory_space<semaphore_mem>>)
    %dma_wait3A_83 = tpu.memref_slice %arg4[%sub3A_4, %mul3A_6] : memref<192x262144xf32, #tpu.memory_space<hbm>> -> memref<1x16384xf32, #tpu.memory_space<hbm>>
    %dma_wait3A_84 = tpu.memref_squeeze %dma_wait3A_83 : memref<1x16384xf32, #tpu.memory_space<hbm>> -> memref<16384xf32, #tpu.memory_space<hbm>>
    %dma_wait3A_85 = tpu.memref_slice %arg10[%mul3A_6] : memref<262144xf32, #tpu.memory_space<vmem_shared>> -> memref<16384xf32, #tpu.memory_space<vmem_shared>>
    tpu.wait_dma2 semaphore(%arg16 : memref<!tpu.dma_semaphore, #tpu.memory_space<semaphore_mem>>) src(%dma_wait3A_85 : memref<16384xf32, #tpu.memory_space<vmem_shared>>) dst(%dma_wait3A_84 : memref<16384xf32, #tpu.memory_space<hbm>>)
    %dma_start3A_86 = tpu.memref_slice %arg10[%mul3A_6] : memref<262144xf32, #tpu.memory_space<vmem_shared>> -> memref<16384xf32, #tpu.memory_space<vmem_shared>>
    %dma_start3A_87 = tpu.memref_slice %arg10[%mul3A_6] : memref<262144xf32, #tpu.memory_space<vmem_shared>> -> memref<16384xf32, #tpu.memory_space<vmem_shared>>
    tpu.enqueue_dma source(%arg9 : memref<16384xf32, #tpu.memory_space<vmem>>) target(%dma_start3A_87 : memref<16384xf32, #tpu.memory_space<vmem_shared>>) target_semaphore(%arg19 : memref<!tpu.dma_semaphore, #tpu.memory_space<semaphore_mem>>)
    %dma_wait3A_88 = tpu.memref_slice %arg12[%mul3A_6] : memref<262144xf32, #tpu.memory_space<vmem_shared>> -> memref<16384xf32, #tpu.memory_space<vmem_shared>>
    %dma_wait3A_89 = tpu.memref_slice %arg12[%mul3A_6] : memref<262144xf32, #tpu.memory_space<vmem_shared>> -> memref<16384xf32, #tpu.memory_space<vmem_shared>>
    tpu.wait_dma2 semaphore(%arg21 : memref<!tpu.dma_semaphore, #tpu.memory_space<semaphore_mem>>) src(%arg9 : memref<16384xf32, #tpu.memory_space<vmem>>) dst(%dma_wait3A_89 : memref<16384xf32, #tpu.memory_space<vmem_shared>>)
    %barrier3A_90 = arith.constant 0 : index
    tpu.barrier barrier_id(%barrier3A_90)
    "tpu.region"() ({
      %run_scoped3A = tpu.sem_alloc : memref<!tpu.dma_semaphore, #tpu.memory_space<semaphore_mem>>
      %dma_start3A_111 = arith.constant 0 : i32
      %dma_start3A_112 = tpu.memref_slice %arg12[%dma_start3A_111] : memref<262144xf32, #tpu.memory_space<vmem_shared>> -> memref<262144xf32, #tpu.memory_space<vmem_shared>>
      tpu.enqueue_indirect_dma source(%arg7 : memref<9216xf32, #tpu.memory_space<vmem>>) target(%dma_start3A_112 : memref<262144xf32, #tpu.memory_space<vmem_shared>>) offsets(%arg8 : memref<9216xi32, #tpu.memory_space<vmem>>) semaphore(%run_scoped3A : memref<!tpu.dma_semaphore, #tpu.memory_space<semaphore_mem>>) {add = true}
      %dma_wait3A_113 = arith.constant 0 : i32
      %dma_wait3A_114 = tpu.memref_slice %arg12[%dma_wait3A_113] : memref<262144xf32, #tpu.memory_space<vmem_shared>> -> memref<262144xf32, #tpu.memory_space<vmem_shared>>
      tpu.wait_indirect_dma semaphore(%run_scoped3A : memref<!tpu.dma_semaphore, #tpu.memory_space<semaphore_mem>>) src(%arg7 : memref<9216xf32, #tpu.memory_space<vmem>>) dst(%dma_wait3A_114 : memref<262144xf32, #tpu.memory_space<vmem_shared>>)
      tpu.yield
    }) : () -> ()
    %barrier3A_91 = arith.constant 0 : index
    tpu.barrier barrier_id(%barrier3A_91)
    %dma_start3A_92 = tpu.memref_slice %arg4[%sub3A_4, %mul3A_6] : memref<192x262144xf32, #tpu.memory_space<hbm>> -> memref<1x16384xf32, #tpu.memory_space<hbm>>
    %dma_start3A_93 = tpu.memref_squeeze %dma_start3A_92 : memref<1x16384xf32, #tpu.memory_space<hbm>> -> memref<16384xf32, #tpu.memory_space<hbm>>
    %dma_start3A_94 = tpu.memref_slice %arg12[%mul3A_6] : memref<262144xf32, #tpu.memory_space<vmem_shared>> -> memref<16384xf32, #tpu.memory_space<vmem_shared>>
    tpu.enqueue_dma source(%dma_start3A_94 : memref<16384xf32, #tpu.memory_space<vmem_shared>>) target(%dma_start3A_93 : memref<16384xf32, #tpu.memory_space<hbm>>) target_semaphore(%arg18 : memref<!tpu.dma_semaphore, #tpu.memory_space<semaphore_mem>>)
    %dma_wait3A_95 = tpu.memref_slice %arg4[%sub3A_4, %mul3A_6] : memref<192x262144xf32, #tpu.memory_space<hbm>> -> memref<1x16384xf32, #tpu.memory_space<hbm>>
    %dma_wait3A_96 = tpu.memref_squeeze %dma_wait3A_95 : memref<1x16384xf32, #tpu.memory_space<hbm>> -> memref<16384xf32, #tpu.memory_space<hbm>>
    %dma_wait3A_97 = tpu.memref_slice %arg11[%mul3A_6] : memref<262144xf32, #tpu.memory_space<vmem_shared>> -> memref<16384xf32, #tpu.memory_space<vmem_shared>>
    tpu.wait_dma2 semaphore(%arg17 : memref<!tpu.dma_semaphore, #tpu.memory_space<semaphore_mem>>) src(%dma_wait3A_97 : memref<16384xf32, #tpu.memory_space<vmem_shared>>) dst(%dma_wait3A_96 : memref<16384xf32, #tpu.memory_space<hbm>>)
    %dma_wait3A_98 = tpu.memref_slice %arg4[%sub3A_4, %mul3A_6] : memref<192x262144xf32, #tpu.memory_space<hbm>> -> memref<1x16384xf32, #tpu.memory_space<hbm>>
    %dma_wait3A_99 = tpu.memref_squeeze %dma_wait3A_98 : memref<1x16384xf32, #tpu.memory_space<hbm>> -> memref<16384xf32, #tpu.memory_space<hbm>>
    %dma_wait3A_100 = tpu.memref_slice %arg12[%mul3A_6] : memref<262144xf32, #tpu.memory_space<vmem_shared>> -> memref<16384xf32, #tpu.memory_space<vmem_shared>>
    tpu.wait_dma2 semaphore(%arg18 : memref<!tpu.dma_semaphore, #tpu.memory_space<semaphore_mem>>) src(%dma_wait3A_100 : memref<16384xf32, #tpu.memory_space<vmem_shared>>) dst(%dma_wait3A_99 : memref<16384xf32, #tpu.memory_space<hbm>>)
    %dma_wait3A_101 = tpu.memref_slice %arg10[%mul3A_6] : memref<262144xf32, #tpu.memory_space<vmem_shared>> -> memref<16384xf32, #tpu.memory_space<vmem_shared>>
    %dma_wait3A_102 = tpu.memref_slice %arg10[%mul3A_6] : memref<262144xf32, #tpu.memory_space<vmem_shared>> -> memref<16384xf32, #tpu.memory_space<vmem_shared>>
    tpu.wait_dma2 semaphore(%arg19 : memref<!tpu.dma_semaphore, #tpu.memory_space<semaphore_mem>>) src(%arg9 : memref<16384xf32, #tpu.memory_space<vmem>>) dst(%dma_wait3A_102 : memref<16384xf32, #tpu.memory_space<vmem_shared>>)
    %dma_wait3A_103 = tpu.memref_slice %arg2[%sub3A_4, %mul3A_0] : memref<192x147456xf32, #tpu.memory_space<hbm>> -> memref<1x9216xf32, #tpu.memory_space<hbm>>
    %dma_wait3A_104 = tpu.memref_squeeze %dma_wait3A_103 : memref<1x9216xf32, #tpu.memory_space<hbm>> -> memref<9216xf32, #tpu.memory_space<hbm>>
    %dma_wait3A_105 = tpu.memref_slice %arg2[%sub3A_4, %mul3A_0] : memref<192x147456xf32, #tpu.memory_space<hbm>> -> memref<1x9216xf32, #tpu.memory_space<hbm>>
    %dma_wait3A_106 = tpu.memref_squeeze %dma_wait3A_105 : memref<1x9216xf32, #tpu.memory_space<hbm>> -> memref<9216xf32, #tpu.memory_space<hbm>>
    tpu.wait_dma2 semaphore(%arg13 : memref<!tpu.dma_semaphore, #tpu.memory_space<semaphore_mem>>) src(%dma_wait3A_106 : memref<9216xf32, #tpu.memory_space<hbm>>) dst(%arg5 : memref<9216xf32, #tpu.memory_space<vmem>>)
    %dma_wait3A_107 = tpu.memref_slice %arg2[%sub3A_4, %mul3A_0] : memref<192x147456xf32, #tpu.memory_space<hbm>> -> memref<1x9216xf32, #tpu.memory_space<hbm>>
    %dma_wait3A_108 = tpu.memref_squeeze %dma_wait3A_107 : memref<1x9216xf32, #tpu.memory_space<hbm>> -> memref<9216xf32, #tpu.memory_space<hbm>>
    %dma_wait3A_109 = tpu.memref_slice %arg2[%sub3A_4, %mul3A_0] : memref<192x147456xf32, #tpu.memory_space<hbm>> -> memref<1x9216xf32, #tpu.memory_space<hbm>>
    %dma_wait3A_110 = tpu.memref_squeeze %dma_wait3A_109 : memref<1x9216xf32, #tpu.memory_space<hbm>> -> memref<9216xf32, #tpu.memory_space<hbm>>
    tpu.wait_dma2 semaphore(%arg14 : memref<!tpu.dma_semaphore, #tpu.memory_space<semaphore_mem>>) src(%dma_wait3A_110 : memref<9216xf32, #tpu.memory_space<hbm>>) dst(%arg6 : memref<9216xf32, #tpu.memory_space<vmem>>)
    return
  }
}

</mosaic_0001>

<sc_bundles>
// kernel: kernel.3.cloned.1.call-start
scs
__scs_entry_jumppad:
0x0: {  	(pc) =	sbr.rel $0x88, $3  }
0x1: {  	(tag) =	ssettag $0x0;
	lr =	simm.s32 $0x1  }
0x2: {  	[smem:$0x3F9F] =	sst lr;
	_ =	strace $0xD0000000  }
0x3: {  	_ = 	snop  }
0x4: {  	_ = 	snop  }
0x5: {  	_ = 	snop  }
0x6: {  	_ = 	snop  }
0x7: {  	_ = 	snop  }
__scs_overlays_trampoline_lowered:
0x8: {  	[smem:$0x3FAE] =	sst s0  }
0x9: {  	[smem:$0x3FAF] =	sst s1  }
0xa: {  	[smem:$0x3FB0] =	sst s2  }
0xb: {  	[smem:$0x3FB1] =	sst s3  }
0xc: {  	[smem:$0x3FB2] =	sst s4  }
0xd: {  	[smem:$0x3FB3] =	sst s5  }
0xe: {  	[smem:$0x3FB4] =	sst s6  }
0xf: {  	[smem:$0x3FB5] =	sst s7  }
0x10: {  	[smem:$0x3FB6] =	sst s8  }
0x11: {  	[smem:$0x3FB7] =	sst s9;
	s0 =	simm.s32 @!p0 $0x0  }
0x12: {  	s1 =	sld [smem:$0x3F9D];
	s0 =	simm.s32 @p0 $0x1  }
0x13: {  	[smem:$0x3FB8] =	sst s0;
	s0 =	simm.s32 @!p1 $0x0  }
0x14: {  	s2 =	sld [smem:$0x3F9C];
	s0 =	simm.s32 @p1 $0x1  }
0x15: {  	[smem:$0x3FB9] =	sst s0;
	s0 =	simm.s32 @!p2 $0x0  }
0x16: {  	s3 =	sld [smem:$0x3FDB];
	s0 =	simm.s32 @p2 $0x1  }
0x17: {  	s4 =	simm.s32 $0x1BF5;
	[smem:$0x3FBB] =	sst s0  }
0x18: {  	s0 =	sld [smem:$0x3F9E];
	_ =	swait.ge [sflag:s4], $0x0  }
0x19: {  	s7 =	sld [smem:$0x3F9F]  }
0x1a: {  	s8 =	sadd.s32 $0xFFFFE003, lr  }
0x1b: {  	s9 =	sadd.s32 $0xFFFFFEF7, lr;
	s5 =	simm.s32 $0xFFFFFFFF;
	p2 =	slt.u32 s8, $0xFFFFF086  }
0x1c: {  	p1 =	slt.u32 s9, $0xF7A;
	s5 =	simm.s32 @!p2 $0x0  }
0x1d: {  	s5 =	simm.s32 @p1 $0x1;
	p0 =	seq.s32 s7, s2  }
0x1e: {  	s7 =	smul.u32 @!p0 $0xF7A, s2;
	p2 =	seq.s32 @!p0 s5, $0x0  }
0x1f: {  	s9 =	smul.u32 $0xF7A, s1;
	s8 =	simm.s32 @!p0 $0x1BF5;
	p2 =	por !p2, p0  }
0x20: {  	[sflag:s8] =	ssyncset.s32 @!p0 $0xFFFFF086;
	s6 =	sadd.s32 @!p0 s3, s7;
	s7 =	simm.s32 @!p0 $0x108  }
0x21: {  	s3 =	sadd.s32 s3, s9;
	s6 =	sadd.s32 @!p0 $0x88, s6;
	s7 =	simm.s32 @p2 $0x1082  }
0x22: {  	[simem:s7], [sflag:s8] =	dma.local @!p0 [hbm:s6], $0xF7A  }
0x23: {  	s9 =	sor.u32 $0xD0000000, s2;
	s6 =	simm.s32 $0x108;
	_ =	swait.ge @!p0 [sflag:s8], $0x0  }
0x24: {  	s3 =	sadd.s32 $0x88, s3;
	s6 =	simm.s32 @!p1 $0x1082;
	[sflag:s4] =	ssyncset.s32 $0xFFFFF086  }
0x25: {  	[simem:s6], [sflag:s4] =	dma.local [hbm:s3], $0xF7A  }
0x26: {  	[smem:$0x3F9F] =	sst s1;
	(tag) =	ssettag s2;
	_ =	strace s9  }
0x27: {  	s1 =	sld [smem:$0x3FAF]  }
0x28: {  	s2 =	sld [smem:$0x3FB0]  }
0x29: {  	s4 =	sld [smem:$0x3FB2]  }
0x2a: {  	p0 =	seq.s32 s5, $0x0;
	s5 =	sld [smem:$0x3FB3]  }
0x2b: {  	s6 =	sld [smem:$0x3FB4]  }
0x2c: {  	s7 =	sld [smem:$0x3FB5]  }
0x2d: {  	s3 =	simm.s32 $0x108;
	s8 =	sld [smem:$0x3FB6]  }
0x2e: {  	s3 =	simm.s32 @!p0 $0x1082;
	s9 =	sld [smem:$0x3FB7]  }
0x2f: {  	lr =	sadd.s32 s0, s3;
	s0 =	sld [smem:$0x3FAE]  }
0x30: {  	s3 =	sld [smem:$0x3FB1]  }
0x31: {  	[smem:$0x3FBA] =	sst s10  }
0x32: {  	s10 =	sld [smem:$0x3FB8];
	_ =	sdelay $0x3  }
0x33: {  	p0 =	seq.s32 s10, $0x1;
	s10 =	sld [smem:$0x3FBA];
	_ =	sdelay $0x3  }
0x34: {  	[smem:$0x3FBA] =	sst s10  }
0x35: {  	s10 =	sld [smem:$0x3FB9];
	_ =	sdelay $0x3  }
0x36: {  	p1 =	seq.s32 s10, $0x1;
	s10 =	sld [smem:$0x3FBA];
	_ =	sdelay $0x3  }
0x37: {  	[smem:$0x3FBA] =	sst s10  }
0x38: {  	s10 =	sld [smem:$0x3FBB]  }
0x39: {  	_ = 	snop;
	(pc) =	sbr.ind lr, $3  }
0x3a: {  	_ = 	snop  }
0x3b: {  	_ = 	snop  }
0x3c: {  	p2 =	seq.s32 s10, $0x1;
	s10 =	sld [smem:$0x3FBA]  }
0x3d: {  	_ =	shalt  }
0x3e: {  	_ =	shalt  }
0x3f: {  	_ =	shalt  }
0x40: {  	_ =	shalt  }
0x41: {  	_ =	shalt  }
0x42: {  	_ =	shalt  }
0x43: {  	_ =	shalt  }
0x44: {  	_ =	shalt  }
0x45: {  	_ =	shalt  }
0x46: {  	_ =	shalt  }
0x47: {  	_ =	shalt  }
0x48: {  	_ =	shalt  }
0x49: {  	_ =	shalt  }
0x4a: {  	_ =	shalt  }
0x4b: {  	_ =	shalt  }
0x4c: {  	_ =	shalt  }
0x4d: {  	_ =	shalt  }
0x4e: {  	_ =	shalt  }
0x4f: {  	_ =	shalt  }
0x50: {  	_ =	shalt  }
0x51: {  	_ =	shalt  }
0x52: {  	_ =	shalt  }
0x53: {  	_ =	shalt  }
0x54: {  	_ =	shalt  }
0x55: {  	_ =	shalt  }
0x56: {  	_ =	shalt  }
0x57: {  	_ =	shalt  }
0x58: {  	_ =	shalt  }
0x59: {  	_ =	shalt  }
0x5a: {  	_ =	shalt  }
0x5b: {  	_ =	shalt  }
0x5c: {  	_ =	shalt  }
0x5d: {  	_ =	shalt  }
0x5e: {  	_ =	shalt  }
0x5f: {  	_ =	shalt  }
0x60: {  	_ =	shalt  }
0x61: {  	_ =	shalt  }
0x62: {  	_ =	shalt  }
0x63: {  	_ =	shalt  }
0x64: {  	_ =	shalt  }
0x65: {  	_ =	shalt  }
0x66: {  	_ =	shalt  }
0x67: {  	_ =	shalt  }
0x68: {  	_ =	shalt  }
0x69: {  	_ =	shalt  }
0x6a: {  	_ =	shalt  }
0x6b: {  	_ =	shalt  }
0x6c: {  	_ =	shalt  }
0x6d: {  	_ =	shalt  }
0x6e: {  	_ =	shalt  }
0x6f: {  	_ =	shalt  }
0x70: {  	_ =	shalt  }
0x71: {  	_ =	shalt  }
0x72: {  	_ =	shalt  }
0x73: {  	_ =	shalt  }
0x74: {  	_ =	shalt  }
0x75: {  	_ =	shalt  }
0x76: {  	_ =	shalt  }
0x77: {  	_ =	shalt  }
0x78: {  	_ =	shalt  }
0x79: {  	_ =	shalt  }
0x7a: {  	_ =	shalt  }
0x7b: {  	_ =	shalt  }
0x7c: {  	_ =	shalt  }
0x7d: {  	_ =	shalt  }
0x7e: {  	_ =	shalt  }
0x7f: {  	_ =	shalt  }
0x80: {  	_ =	shalt  }
0x81: {  	_ =	shalt  }
0x82: {  	_ =	shalt  }
0x83: {  	_ =	shalt  }
0x84: {  	_ =	shalt  }
0x85: {  	_ =	shalt  }
0x86: {  	_ =	shalt  }
0x87: {  	_ =	shalt  }
.Lfunc_end0:
.L_simem_size_0:
called_computation.2_lowered:
.L_overlay_start_0:
0x88: {  	s2 =	sld [smem:$0x3FD9]  }
0x89: {  	s3 =	sld [smem:$0x3FFE];
	_ =	sdelay $0x1  }
0x8a: {  	s1 =	srdreg.scid  }
0x8b: {  	s0 =	sand.u32 $0x1, s1  }
0x8c: {  	s17 =	sshll.u32 s0, $0xA;
	s2 =	sadd.s32 s3, s2  }
0x8d: {  	s2 =	sadd.s32 s2, s17  }
0x8e: {  	[smem:$0x3FC6] =	sst s2  }
0x8f: {  	_ = 	snop  }
0x90: {  	s2 =	sld [smem:$0x3FD0];
	(tm) =	ssettm $0x1  }
0x91: {  	s18 =	sld [smem:$0x3FFB];
	_ =	sdelay $0x3  }
0x92: {  	_ =	strace s18  }
0x93: {  	s3 =	sld [smem:$0x3FFC];
	_ =	sdelay $0x3  }
0x94: {  	_ =	strace s3  }
0x95: {  	s3 =	sld [smem:$0x3FFD];
	_ =	sdelay $0x3  }
0x96: {  	_ =	strace s3  }
0x97: {  	_ =	strace $0x8FFFFFFF  }
0x98: {  	s19 =	sld [smem:$0x3FDB];
	_ =	sdelay $0x1  }
0x99: {  	s4 =	simm.s32 $_scs_section_size  }
0x9a: {  	s5 =	simm.s32 $_size__tile_overlayer_lowered;
	s6 =	simm.s32 $_tile_overlayer_lowered  }
0x9b: {  	s22 =	simm.s32 $0x1BFF;
	s21 =	sshll.u32 s6, $0x1;
	s3 =	sadd.s32 s4, s19  }
0x9c: {  	s7 =	simm.s32 $0x0;
	s20 =	sshll.u32 s5, $0x1;
	s5 =	sadd.s32 s21, s3  }
0x9d: {  	[timem:s7], [sflag:s22] =	dma.local [hbm:s5], s20  }
0x9e: {  	_ =	swait.ge [sflag:s22], s20  }
0x9f: {  	s4 =	ssub.s32 $0x0, s20;
	[sflag:s22] =	ssyncset.done $0x0  }
0xa0: {  	[sflag:s22] =	ssyncadd.s32 s4;
	_ =	sdelay $0x1  }
0xa1: {  	s23 =	simm.s32 $0x1B8B  }
0xa2: {  	_ =	swait.ge [sflag:s23], $0x1  }
0xa3: {  	[sflag:s23] =	ssyncset.done $0x0  }
0xa4: {  	s25 =	simm.s32 $0x1B8E;
	s24 =	sld [smem:$0x3FFE];
	[sflag:s23] =	ssyncadd.s32 $0xFFFFFFFF  }
0xa5: {  	s26 =	simm.s32 $execute0_lowered;
	[smem:$0x3FD2] =	sst s25  }
0xa6: {  	s5 =	sshll.u32 s26, $0x1;
	_ =	strace $0x80000049;
	[dreg:$0x1] =	wrdreg $0xFFFFFFFF  }
0xa7: {  	s28 =	simm.s32 $_size_execute0_lowered;
	s3 =	sadd.s32 s3, s5;
	[dreg:$0x0] =	wrdreg $0x0  }
0xa8: {  	s5 =	sshll.u32 s28, $0x1;
	[dreg:$0x2] =	wrdreg s3  }
0xa9: {  	[dreg:$0x3] =	wrdreg s5  }
0xaa: {  	[dreg:$0x4] =	wrdreg $0xC0  }
0xab: {  	_ =	task [dreg:s7], $0x5FFFF  }
0xac: {  	[dreg:$0x1] =	wrdreg $0xFFFFFFFF  }
0xad: {  	[dreg:$0x0] =	wrdreg $0x60  }
0xae: {  	[dreg:$0x2] =	wrdreg s24  }
0xaf: {  	[dreg:$0x3] =	wrdreg s2  }
0xb0: {  	[dreg:$0x4] =	wrdreg $0xD0000  }
0xb1: {  	[dreg:$0x5] =	wrdreg $0x110000  }
0xb2: {  	[dreg:$0x6] =	wrdreg $0x150000  }
0xb3: {  	[dreg:$0x7] =	wrdreg $0x9  }
0xb4: {  	_ =	task.clear_ibuf [dreg:s7], $0x8FFFF;
	_ =	strace $0x90000049  }
0xb5: {  	s29 =	simm.s32 $0x9;
	_ =	strace $0x8000004B  }
0xb6: {  	_ =	swait.ge [sflag:s29], $0x1  }
0xb7: {  	[sflag:s29] =	ssyncadd.s32 $0xFFFFFFFF  }
0xb8: {  	_ =	strace $0x9000004B  }
0xb9: {  	_ =	sfence  }
0xba: {  	s30 =	sld [smem:$0x0];
	_ =	sdelay $0x2  }
0xbb: {  	s31 =	sshll.u32 s1, $0xD;
	s1 =	sshrl.u32 s1, $0x2  }
0xbc: {  	s3 =	sand.u32 $0x4000, s31;
	s1 =	sadd.s32 s1, s30  }
0xbd: {  	s0 =	sor.u32 s3, s0;
	s1 =	sshll.u32 s1, $0x11  }
0xbe: {  	s0 =	sor.u32 s1, s0  }
0xbf: {  	s0 =	sadd.s32 $0x8F2B, s0  }
0xc0: {  	[sflag:s0] =	ssyncadd.remote.s32 $0x1  }
0xc1: {  	_ =	sfence.sel $0xFFFF  }
0xc2: {  	[dreg:$0x0] =	wrdreg $0xFFFFFFFF;
	(pc) =	sbr.abs _section_cstart, $3  }
0xc3: {  	[dreg:$0x1] =	wrdreg $0xFFFFFFFF  }
0xc4: {  	_ =	task.clear_ibuf [dreg:s7], $0x2FFFF;
	_ =	strace $0x9FFFFFFF  }
0xc5: {  	(tm) =	ssettm $0x7FFFFFFF  }
tec
execute0_lowered:
.L_overlay_start_1:
0x0: {  	(tag) =	ssettag $0x1  }
0x1: {  	s0 =	rddreg [dreg:$0x0]  }
0x2: {  	s30 =	rddreg [dreg:$0x1]  }
0x3: {  	s20 =	rddreg [dreg:$0x2]  }
0x4: {  	s12 =	rddreg [dreg:$0x3]  }
0x5: {  	s25 =	rddreg [dreg:$0x4];
	s13 =	simm.s32 $0x0;
	s6 =	stileid.u32  }
0x6: {  	s1 =	srdreg.scid;
	s29 =	simm.s32 $0xA;
	s31 =	simm.s32 $0x80  }
0x7: {  	[smem:$0x7FF] =	sst s13;
	s2 =	smul.u32 $0x480, s6;
	s1 =	sand.u32 $0x1, s1  }
0x8: {  	s7 =	sadd.s32 $0xE00, s0;
	s8 =	smul.u32 $0x12000, s6;
	s17 =	sshll.u32 s6, $0xE  }
0x9: {  	s11 =	sshll.u32 s6, $0x11;
	_ =	strace $0x8000004A;
	s28 =	sadd.s32 s17, s12  }
0xa: {  	s3 =	smul.u32 $0x60, s1;
	s14 =	sadd.s32 s17, s20;
	[dreg:$0x6] =	wrdreg s28  }
0xb: {  	s15 =	ssub.s32 $0x2, s1;
	s17 =	sadd.s32 s17, s25;
	[dreg:$0x8] =	wrdreg s14  }
0xc: {  	s0 =	sadd.s32 s2, s0;
	s4 =	sshrl.u32 s15, $0x1;
	[dreg:$0x1c] =	wrdreg s17  }
0xd: {  	s5 =	sshrl.u32 s3, $0x3;
	s2 =	ssub.s32 s15, s4;
	s15 =	smul.u32 $0x1800000, s1  }
0xe: {  	s9 =	sadd.s32 $0x5F, s3;
	s0 =	sadd.s32 $0x360E00, s0;
	s1 =	smul.u32 $0x3000, s1  }
0xf: {  	s18 =	sor.u32 $0x2, s3;
	s21 =	sor.u32 $0x3, s3;
	s16 =	smul.u32 $0x120000, s5  }
0x10: {  	[dreg:$0xf] =	wrdreg s0;
	s5 =	smin.u32 s18, s9;
	s10 =	sshrl.u32 s9, $0x3  }
0x11: {  	s26 =	sshll.u32 s9, $0x12;
	s19 =	sshrl.u32 s5, $0x3;
	s5 =	sshll.u32 s5, $0x7  }
0x12: {  	s23 =	sor.u32 s11, s15;
	s24 =	smul.u32 $0x120000, s10;
	s10 =	simm.s32 $0x1  }
0x13: {  	s4 =	sadd.s32 s8, s16;
	s0 =	smul.u32 $0x120000, s19;
	s5 =	sand.u32 $0x380, s5  }
0x14: {  	s4 =	sshrl.u32 s4, $0x3;
	s19 =	sadd.s32 s8, s24;
	s24 =	sor.u32 $0x6, s3  }
0x15: {  	s16 =	sand.u32 $0x3E00000, s26;
	s4 =	sadd.s32 s7, s4;
	[dreg:$0x19] =	wrdreg s24  }
0x16: {  	s3 =	simm.s32 $0x2400;
	s0 =	sadd.s32 s8, s0;
	[dreg:$0x10] =	wrdreg s4  }
0x17: {  	s4 =	sadd.s32 $0x10, s4;
	s0 =	sor.u32 s5, s0;
	s5 =	sshrl.u32 s23, $0x3  }
0x18: {  	s23 =	sor.u32 $0x100, s1;
	s1 =	simm.s32 $0x0;
	[dreg:$0x11] =	wrdreg s4  }
0x19: {  	s4 =	smin.u32 s21, s9;
	s0 =	sshrl.u32 s0, $0x3;
	s18 =	sadd.s32 s30, s5  }
0x1a: {  	s21 =	sshrl.u32 s19, $0x3;
	[dreg:$0x18] =	wrdreg s23;
	s5 =	simm.s32 $0x9000  }
0x1b: {  	s23 =	simm.s32 $0x8;
	s19 =	simm.s32 $0x3;
	s22 =	sshrl.u32 s4, $0x3  }
0x1c: {  	s4 =	sshll.u32 s4, $0x7;
	s0 =	sadd.s32 s7, s0;
	[dreg:$0x13] =	wrdreg s18  }
0x1d: {  	s26 =	sadd.s32 $0x10, s18;
	s18 =	simm.s32 $0x10;
	s6 =	smul.u32 $0x120000, s22  }
0x1e: {  	s4 =	sand.u32 $0x380, s4;
	[dreg:$0x12] =	wrdreg s0;
	s0 =	sor.u32 s11, s16  }
0x1f: {  	s22 =	smax.u32 s2, $0x1;
	s0 =	sshrl.u32 s0, $0x3;
	s6 =	sadd.s32 s8, s6  }
0x20: {  	[dreg:$0x1a] =	wrdreg s26;
	s0 =	sadd.s32 s0, s30;
	s4 =	sor.u32 s4, s6  }
0x21: {  	[dreg:$0x17] =	wrdreg s22;
	s0 =	sadd.s32 $0x70, s0;
	s4 =	sshrl.u32 s4, $0x3  }
0x22: {  	s22 =	simm.s32 $0x2;
	[dreg:$0x16] =	wrdreg s0;
	s4 =	sadd.s32 s7, s4  }
0x23: {  	s6 =	smov.u32 s15;
	[dreg:$0x14] =	wrdreg s4;
	s4 =	sadd.s32 s21, s7  }
0x24: {  	s15 =	simm.s32 $0x7;
	[dreg:$0x7] =	wrdreg s6;
	s4 =	sadd.s32 $0x70, s4  }
0x25: {  	v0 =	vimm.f32 $0.0e+00;
	s21 =	simm.s32 $0x4800;
	[dreg:$0x15] =	wrdreg s4;
	s4 =	simm.s32 $0x6C00  }
.LBB2_1:
0x26: {  	[dreg:$0x1b] =	wrdreg s1  }
0x27: {  	s0 =	rddreg [dreg:$0xf]  }
0x28: {  	[tilespmem:s4], [sflag:$0xA] =	stream.linear.gather [hbm4b:s0+s13], $0x2400, $0x38;
	[tilespmem:$0x19000] =	vst v63  }
0x29: {  	_ =	swait.ge [sflag:s29], $0x2400  }
0x2a: {  	[sflag:s29] =	ssyncset.done $0x0  }
0x2b: {  	s1 =	simm.s32 $0x40;
	s2 =	simm.s32 $0x0;
	[sflag:s29] =	ssyncadd.s32 $0xFFFFDC00  }
.LBB2_2:
0x2c: {  	p0 =	sne.s32 s1, $0xFFC0;
	[tilespmem:s2+$0x9000] =	vst v0;
	s2 =	smov.u32 s1;
	s1 =	sadd.s32 $0x40, s1  }
.Ltmp0:
0x2d: {  	(pc) =	sbr.rel @p0 .LBB2_2-.Ltmp0, $2  }
0x2e: {  	_ =	sdelay $0x2  }
0x2f: {  	s2 =	sshra.s32 s2, $0x2  }
0x30: {  	[tilespmem:s2+$0x9000] =	vst v0  }
0x31: {  	[spmem:s14] =	stream.linear.scatter [tilespmem:s5], [sflag:$0x7], $0x4000, $0x38;
	[tilespmem:$0x19000] =	vst v63  }
0x32: {  	_ = 	snop  }
0x33: {  	[spmem:s28] =	stream.linear.scatter [tilespmem:s5], [sflag:$0x8], $0x4000, $0x38;
	[tilespmem:$0x19000] =	vst v63  }
0x34: {  	_ = 	snop  }
0x35: {  	[spmem:s17] =	stream.linear.scatter [tilespmem:s5], [sflag:$0x9], $0x4000, $0x38;
	[tilespmem:$0x19000] =	vst v63  }
0x36: {  	s2 =	simm.s32 $0x0;
	s0 =	rddreg [dreg:$0x10];
	s1 =	simm.s32 $0x400  }
0x37: {  	[tilespmem:s2], [sflag:$0x1] =	stream.strided.gather [hbm4b:s0+s31], $0x2400, s1, s31, $0x38;
	[tilespmem:$0x19000] =	vst v63  }
0x38: {  	s5 =	rddreg [dreg:$0x11]  }
0x39: {  	[tilespmem:s3], [sflag:$0x2] =	stream.strided.gather [hbm4b:s5+s31], $0x2400, s1, s31, $0x38;
	[tilespmem:$0x19000] =	vst v63  }
0x3a: {  	_ =	swait.ge [sflag:s10], $0x2400  }
0x3b: {  	[sflag:s10] =	ssyncset.done $0x0  }
0x3c: {  	s13 =	rddreg [dreg:$0x12];
	[sflag:s10] =	ssyncadd.s32 $0xFFFFDC00  }
0x3d: {  	[tilespmem:s21], [sflag:$0x3] =	stream.strided.gather [hbm4b:s13+s31], $0x2400, s1, s31, $0x38;
	[tilespmem:$0x19000] =	vst v63  }
0x3e: {  	_ =	swait.ge [sflag:s15], $0x4000  }
0x3f: {  	[sflag:s15] =	ssyncset.done $0x0  }
0x40: {  	[sflag:s15] =	ssyncadd.s32 $0xFFFFC000  }
0x41: {  	[bflag:$0x0] =	sbarrier.arrive $0xFFFF  }
0x42: {  	[spmem:s20] =	stream.indirect.scatter.add.f32 [tilespmem:s2], [sflag:$0xA], $0x1, s4, s3, $0xb8;
	[tilespmem:$0x19000] =	vst v63  }
0x43: {  	_ =	swait.ge [sflag:s29], $0x2400  }
0x44: {  	[sflag:s29] =	ssyncset.done $0x0  }
0x45: {  	s15 =	stileid.u32;
	[sflag:s29] =	ssyncadd.s32 $0xFFFFDC00  }
0x46: {  	s1 =	sshll.u32 s15, $0x6;
	[bflag:$0x0] =	sbarrier.arrive $0xFFFF  }
0x47: {  	s16 =	sor.u32 $0x1C04, s1;
	s24 =	rddreg [dreg:$0x13]  }
0x48: {  	s13 =	sshrl.u32 s14, $0x3;
	[dreg:$0xb] =	wrdreg s16  }
0x49: {  	[dreg:$0xc] =	wrdreg s13  }
0x4a: {  	[hbm:s24@s31], [sflag:s16] =	dma.strided [spmem:s13@s18], $0x800, s10, $0x10   }
0x4b: {  	_ =	swait.ge [sflag:s22], $0x2400  }
0x4c: {  	[sflag:s22] =	ssyncset.done $0x0  }
0x4d: {  	s21 =	simm.s32 $0x400;
	s26 =	rddreg [dreg:$0x14];
	[sflag:s22] =	ssyncadd.s32 $0xFFFFDC00  }
0x4e: {  	[tilespmem:s2], [sflag:$0x1] =	stream.strided.gather [hbm4b:s26+s31], $0x2400, s21, s31, $0x38;
	[tilespmem:$0x19000] =	vst v63  }
0x4f: {  	_ =	swait.ge [sflag:s23], $0x4000  }
0x50: {  	[sflag:s23] =	ssyncset.done $0x0  }
0x51: {  	[sflag:s23] =	ssyncadd.s32 $0xFFFFC000  }
0x52: {  	[bflag:$0x0] =	sbarrier.arrive $0xFFFF  }
0x53: {  	[spmem:s12] =	stream.indirect.scatter.add.f32 [tilespmem:s3], [sflag:$0xA], $0x1, s4, s3, $0xb8;
	[tilespmem:$0x19000] =	vst v63  }
0x54: {  	_ =	swait.ge [sflag:s29], $0x2400  }
0x55: {  	[sflag:s29] =	ssyncset.done $0x0  }
0x56: {  	[sflag:s29] =	ssyncadd.s32 $0xFFFFDC00  }
0x57: {  	[bflag:$0x0] =	sbarrier.arrive $0xFFFF  }
0x58: {  	s4 =	sor.u32 $0x1C05, s1;
	s12 =	rddreg [dreg:$0x1a]  }
0x59: {  	s5 =	sshrl.u32 s28, $0x3;
	[dreg:$0x9] =	wrdreg s4  }
0x5a: {  	[dreg:$0xa] =	wrdreg s5  }
0x5b: {  	[hbm:s12@s31], [sflag:s4] =	dma.strided [spmem:s5@s18], $0x800, s10, $0x10   }
0x5c: {  	s0 =	rddreg [dreg:$0x19]  }
0x5d: {  	s15 =	simm.s32 $0x3;
	s13 =	simm.s32 $0x400;
	s2 =	sadd.s32 $0xFFFFFFFE, s0  }
0x5e: {  	s16 =	simm.s32 $0xC0000;
	s4 =	smov.u32 s9;
	p0 =	slt.s32 s2, s9  }
0x5f: {  	s24 =	simm.s32 $0x9000;
	s22 =	simm.s32 $0x6C00;
	s4 =	smov.u32 @p0 s2  }
0x60: {  	s21 =	smov.u32 s28;
	s26 =	simm.s32 $0x8;
	s2 =	sshrl.u32 s4, $0x3  }
0x61: {  	s23 =	smov.u32 s17;
	s17 =	simm.s32 $0x180000;
	s2 =	smul.u32 $0x120000, s2  }
0x62: {  	s1 =	sor.u32 $0x1C06, s1;
	s18 =	simm.s32 $0x10;
	s4 =	sshll.u32 s4, $0x7  }
0x63: {  	s5 =	sadd.s32 $0x0, s6;
	s4 =	sand.u32 $0x380, s4;
	s2 =	sadd.s32 s8, s2  }
0x64: {  	_ =	swait.ge [sflag:s19], $0x2400;
	s19 =	simm.s32 $0x4800;
	s2 =	sor.u32 s4, s2  }
0x65: {  	s6 =	sadd.s32 $0x80000, s5;
	[sflag:s15] =	ssyncset.done $0x0;
	s2 =	sshrl.u32 s2, $0x3  }
0x66: {  	s28 =	rddreg [dreg:$0x18];
	[sflag:s15] =	ssyncadd.s32 $0xFFFFDC00;
	s2 =	sadd.s32 s7, s2  }
0x67: {  	[tilespmem:s3], [sflag:$0x2] =	stream.strided.gather [hbm4b:s2+s31], $0x2400, s13, s31, $0x38;
	[tilespmem:$0x19000] =	vst v63  }
0x68: {  	s6 =	sand.u32 $0x3E00000, s6;
	s15 =	sand.u32 $0x380, s28;
	s13 =	simm.s32 $0x4  }
0x69: {  	s12 =	sadd.s32 $0xFFFFFFFF, s0;
	s6 =	sor.u32 s6, s15;
	_ =	swait.ge [sflag:s13], $0x800  }
0x6a: {  	s15 =	smov.u32 s20;
	s6 =	sor.u32 s11, s6;
	[sflag:s13] =	ssyncset.done $0x0  }
0x6b: {  	s20 =	simm.s32 $0x9;
	s6 =	sshrl.u32 s6, $0x3;
	[sflag:s13] =	ssyncadd.s32 $0xFFFFF800  }
0x6c: {  	[spmem:s14] =	stream.linear.scatter [tilespmem:s24], [sflag:$0x7], $0x4000, $0x38;
	[tilespmem:$0x19000] =	vst v63  }
0x6d: {  	p0 =	slt.s32 s12, s9;
	s6 =	sadd.s32 s30, s6;
	_ =	swait.ge [sflag:s20], $0x4000  }
0x6e: {  	s4 =	sadd.s32 $0x80, s28;
	s2 =	sadd.s32 $0x100, s28;
	[sflag:s20] =	ssyncset.done $0x0  }
0x6f: {  	s4 =	sand.u32 $0x380, s4;
	s2 =	sand.u32 $0x380, s2;
	[sflag:s20] =	ssyncadd.s32 $0xFFFFC000  }
0x70: {  	s13 =	sadd.s32 $0xC0000, s5;
	s5 =	sadd.s32 $0x100000, s5;
	[bflag:$0x0] =	sbarrier.arrive $0xFFFF  }
0x71: {  	[spmem:s25] =	stream.indirect.scatter.add.f32 [tilespmem:s19], [sflag:$0xA], $0x1, s22, s3, $0xb8;
	[tilespmem:$0x19000] =	vst v63  }
0x72: {  	s14 =	smov.u32 s9;
	s13 =	sand.u32 $0x7FE00000, s13;
	_ =	swait.ge [sflag:s29], $0x2400  }
0x73: {  	s14 =	smov.u32 @p0 s12;
	p0 =	slt.s32 s0, s9;
	[sflag:s29] =	ssyncset.done $0x0  }
0x74: {  	s12 =	sshrl.u32 s14, $0x3;
	s14 =	sshll.u32 s14, $0x7;
	[sflag:s29] =	ssyncadd.s32 $0xFFFFDC00  }
0x75: {  	s12 =	smul.u32 $0x120000, s12;
	s14 =	sand.u32 $0x380, s14;
	[bflag:$0x0] =	sbarrier.arrive $0xFFFF  }
0x76: {  	s22 =	smov.u32 s23;
	s23 =	sshrl.u32 s23, $0x3;
	[dreg:$0xd] =	wrdreg s1  }
0x77: {  	s25 =	sadd.s32 s8, s12;
	s12 =	sand.u32 $0x7FE00000, s5;
	[dreg:$0xe] =	wrdreg s23  }
0x78: {  	[hbm:s6@s31], [sflag:s1] =	dma.strided [spmem:s23@s18], $0x800, s10, $0x10   }
0x79: {  	s20 =	simm.s32 $0x6C00;
	s18 =	sor.u32 s14, s25;
	s1 =	sor.u32 s12, s2  }
0x7a: {  	s25 =	simm.s32 $0x400;
	s2 =	smov.u32 s9;
	_ =	swait.ge [sflag:s10], $0x2400  }
0x7b: {  	s12 =	simm.s32 $0x7;
	s5 =	sshrl.u32 s18, $0x3;
	[sflag:s10] =	ssyncset.done $0x0  }
0x7c: {  	s14 =	simm.s32 $0x7;
	s23 =	sadd.s32 s7, s5;
	[sflag:s10] =	ssyncadd.s32 $0xFFFFDC00  }
0x7d: {  	[tilespmem:s19], [sflag:$0x3] =	stream.strided.gather [hbm4b:s23+s31], $0x2400, s25, s31, $0x38;
	[tilespmem:$0x19000] =	vst v63  }
0x7e: {  	s2 =	smov.u32 @p0 s0;
	s5 =	sor.u32 s13, s4;
	s23 =	simm.s32 $0x5  }
0x7f: {  	s13 =	sadd.s32 $0x3, s0;
	s18 =	sshrl.u32 s2, $0x3;
	_ =	swait.ge [sflag:s23], $0x800  }
0x80: {  	s2 =	sshll.u32 s2, $0x7;
	s6 =	sor.u32 s11, s5;
	[sflag:s23] =	ssyncset.done $0x0  }
0x81: {  	s4 =	sadd.s32 $0xFFFFFFFE, s13;
	s5 =	smul.u32 $0x120000, s18;
	[sflag:s23] =	ssyncadd.s32 $0xFFFFF800  }
0x82: {  	[spmem:s21] =	stream.linear.scatter [tilespmem:s24], [sflag:$0x8], $0x4000, $0x38;
	[tilespmem:$0x19000] =	vst v63  }
0x83: {  	s2 =	sand.u32 $0x380, s2;
	s25 =	sor.u32 s11, s1;
	_ =	swait.ge [sflag:s12], $0x4000  }
0x84: {  	s1 =	sshrl.u32 s6, $0x3;
	p0 =	slt.s32 s4, s9;
	[sflag:s12] =	ssyncset.done $0x0  }
0x85: {  	s6 =	smov.u32 s9;
	s19 =	simm.s32 $0x0;
	[sflag:s14] =	ssyncadd.s32 $0xFFFFC000  }
0x86: {  	s1 =	sadd.s32 s30, s1;
	s6 =	smov.u32 @p0 s4;
	[bflag:$0x0] =	sbarrier.arrive $0xFFFF  }
0x87: {  	[spmem:s15] =	stream.indirect.scatter.add.f32 [tilespmem:s19], [sflag:$0xA], $0x1, s20, s3, $0xb8;
	[tilespmem:$0x19000] =	vst v63  }
0x88: {  	s4 =	sshll.u32 s6, $0x7;
	s21 =	sshrl.u32 s6, $0x3;
	_ =	swait.ge [sflag:s29], $0x2400  }
0x89: {  	s24 =	sadd.s32 s8, s5;
	s5 =	smul.u32 $0x120000, s21;
	[sflag:s29] =	ssyncset.done $0x0  }
0x8a: {  	s2 =	sor.u32 s2, s24;
	s21 =	simm.s32 $0x6;
	[sflag:s29] =	ssyncadd.s32 $0xFFFFDC00  }
0x8b: {  	s6 =	sshrl.u32 s2, $0x3;
	s14 =	sadd.s32 $0x180, s28;
	[bflag:$0x0] =	sbarrier.arrive $0xFFFF  }
.LBB2_4:
0x8c: {  	s0 =	rddreg [dreg:$0xb]  }
0x8d: {  	s19 =	simm.s32 $0x10;
	s2 =	rddreg [dreg:$0xc];
	s20 =	simm.s32 $0x2  }
0x8e: {  	[hbm:s1@s31], [sflag:s0] =	dma.strided [spmem:s2@s19], $0x800, s10, $0x10   }
0x8f: {  	_ =	swait.ge [sflag:s20], $0x2400  }
0x90: {  	s24 =	sadd.s32 s7, s6;
	[sflag:s20] =	ssyncset.done $0x0  }
0x91: {  	s0 =	simm.s32 $0x400;
	[sflag:s20] =	ssyncadd.s32 $0xFFFFDC00;
	s20 =	simm.s32 $0x0  }
0x92: {  	[tilespmem:s20], [sflag:$0x1] =	stream.strided.gather [hbm4b:s24+s31], $0x2400, s0, s31, $0x38;
	[tilespmem:$0x19000] =	vst v63  }
0x93: {  	_ =	swait.ge [sflag:s21], $0x800  }
0x94: {  	[sflag:s21] =	ssyncset.done $0x0  }
0x95: {  	s24 =	simm.s32 $0x9000;
	[sflag:s21] =	ssyncadd.s32 $0xFFFFF800  }
0x96: {  	[spmem:s22] =	stream.linear.scatter [tilespmem:s24], [sflag:$0x9], $0x4000, $0x38;
	[tilespmem:$0x19000] =	vst v63  }
0x97: {  	_ =	swait.ge [sflag:s26], $0x4000  }
0x98: {  	s4 =	sand.u32 $0x380, s4;
	s28 =	sshrl.u32 s25, $0x3;
	[sflag:s26] =	ssyncset.done $0x0  }
0x99: {  	s25 =	sadd.s32 $0x100, s14;
	s18 =	simm.s32 $0x6C00;
	[sflag:s26] =	ssyncadd.s32 $0xFFFFC000  }
0x9a: {  	s5 =	sadd.s32 s8, s5;
	s12 =	rddreg [dreg:$0x7];
	[bflag:$0x0] =	sbarrier.arrive $0xFFFF  }
0x9b: {  	s4 =	sor.u32 s4, s5;
	s16 =	sadd.s32 s16, s12;
	s15 =	rddreg [dreg:$0x3]  }
0x9c: {  	[spmem:s15] =	stream.indirect.scatter.add.f32 [tilespmem:s3], [sflag:$0xA], $0x1, s18, s3, $0xb8;
	[tilespmem:$0x19000] =	vst v63  }
0x9d: {  	s5 =	sadd.s32 s30, s28;
	s12 =	sadd.s32 $0x80000, s16;
	_ =	swait.ge [sflag:s29], $0x2400  }
0x9e: {  	s28 =	sand.u32 $0x380, s14;
	s12 =	sand.u32 $0x3E00000, s12;
	[sflag:s29] =	ssyncset.done $0x0  }
0x9f: {  	s25 =	sand.u32 $0x380, s25;
	s12 =	sor.u32 s12, s28;
	[sflag:s29] =	ssyncadd.s32 $0xFFFFDC00  }
0xa0: {  	s15 =	sadd.s32 $0xC0000, s16;
	s16 =	sadd.s32 $0x100000, s16;
	[bflag:$0x0] =	sbarrier.arrive $0xFFFF  }
0xa1: {  	s28 =	sand.u32 $0x7FE00000, s15;
	s16 =	sand.u32 $0x7FE00000, s16;
	s15 =	rddreg [dreg:$0x9]  }
0xa2: {  	s16 =	sor.u32 s16, s25;
	s25 =	rddreg [dreg:$0xa]  }
0xa3: {  	[hbm:s5@s31], [sflag:s15] =	dma.strided [spmem:s25@s19], $0x800, s10, $0x10   }
0xa4: {  	s15 =	simm.s32 $0x3  }
0xa5: {  	_ =	swait.ge [sflag:s15], $0x2400  }
0xa6: {  	s4 =	sshrl.u32 s4, $0x3;
	[sflag:s15] =	ssyncset.done $0x0  }
0xa7: {  	s6 =	sadd.s32 $0x80, s14;
	s4 =	sadd.s32 s7, s4;
	[sflag:s15] =	ssyncadd.s32 $0xFFFFDC00  }
0xa8: {  	[tilespmem:s3], [sflag:$0x2] =	stream.strided.gather [hbm4b:s4+s31], $0x2400, s0, s31, $0x38;
	[tilespmem:$0x19000] =	vst v63  }
0xa9: {  	s1 =	smov.u32 s17;
	s6 =	sand.u32 $0x380, s6;
	s4 =	simm.s32 $0x4  }
0xaa: {  	s6 =	sor.u32 s28, s6;
	s25 =	sor.u32 s11, s12;
	_ =	swait.ge [sflag:s4], $0x800  }
0xab: {  	s12 =	sadd.s32 $0xFFFFFFFF, s13;
	s5 =	sshrl.u32 s25, $0x3;
	[sflag:s4] =	ssyncset.done $0x0  }
0xac: {  	s15 =	simm.s32 $0x9;
	s28 =	rddreg [dreg:$0x8];
	[sflag:s4] =	ssyncadd.s32 $0xFFFFF800  }
0xad: {  	[spmem:s28] =	stream.linear.scatter [tilespmem:s24], [sflag:$0x7], $0x4000, $0x38;
	[tilespmem:$0x19000] =	vst v63  }
0xae: {  	s25 =	sor.u32 s11, s16;
	p1 =	slt.s32 s12, s9;
	_ =	swait.ge [sflag:s15], $0x4000  }
0xaf: {  	s16 =	smov.u32 s1;
	s1 =	smov.u32 s9;
	[sflag:s15] =	ssyncset.done $0x0  }
0xb0: {  	s1 =	smov.u32 @p1 s12;
	[sflag:s15] =	ssyncadd.s32 $0xFFFFC000  }
0xb1: {  	s12 =	sshrl.u32 s1, $0x3;
	[bflag:$0x0] =	sbarrier.arrive $0xFFFF  }
0xb2: {  	s4 =	smul.u32 $0x120000, s12;
	s12 =	simm.s32 $0x4800;
	s28 =	rddreg [dreg:$0x4]  }
0xb3: {  	[spmem:s28] =	stream.indirect.scatter.add.f32 [tilespmem:s12], [sflag:$0xA], $0x1, s18, s3, $0xb8;
	[tilespmem:$0x19000] =	vst v63  }
0xb4: {  	_ =	swait.ge [sflag:s29], $0x2400  }
0xb5: {  	[sflag:s29] =	ssyncset.done $0x0  }
0xb6: {  	[sflag:s29] =	ssyncadd.s32 $0xFFFFDC00  }
0xb7: {  	[bflag:$0x0] =	sbarrier.arrive $0xFFFF  }
0xb8: {  	s5 =	sadd.s32 s30, s5;
	s1 =	sshll.u32 s1, $0x7;
	s15 =	rddreg [dreg:$0xd]  }
0xb9: {  	s1 =	sand.u32 $0x380, s1;
	s4 =	sadd.s32 s8, s4;
	s28 =	rddreg [dreg:$0xe]  }
0xba: {  	[hbm:s5@s31], [sflag:s15] =	dma.strided [spmem:s28@s19], $0x800, s10, $0x10   }
0xbb: {  	s1 =	sor.u32 s1, s4;
	_ =	swait.ge [sflag:s10], $0x2400  }
0xbc: {  	s1 =	sshrl.u32 s1, $0x3;
	[sflag:s10] =	ssyncset.done $0x0  }
0xbd: {  	p0 =	sne.s32 s17, $0x1680000;
	s1 =	sadd.s32 s7, s1;
	[sflag:s10] =	ssyncadd.s32 $0xFFFFDC00  }
0xbe: {  	[tilespmem:s12], [sflag:$0x3] =	stream.strided.gather [hbm4b:s1+s31], $0x2400, s0, s31, $0x38;
	[tilespmem:$0x19000] =	vst v63  }
0xbf: {  	s2 =	smov.u32 s13;
	s17 =	sadd.s32 $0xC0000, s17;
	_ =	swait.ge [sflag:s23], $0x800  }
0xc0: {  	s14 =	sadd.s32 $0x180, s14;
	s6 =	sor.u32 s11, s6;
	[sflag:s23] =	ssyncset.done $0x0  }
0xc1: {  	s15 =	simm.s32 $0x7;
	s12 =	rddreg [dreg:$0x6];
	[sflag:s23] =	ssyncadd.s32 $0xFFFFF800  }
0xc2: {  	[spmem:s12] =	stream.linear.scatter [tilespmem:s24], [sflag:$0x8], $0x4000, $0x38;
	[tilespmem:$0x19000] =	vst v63  }
0xc3: {  	s6 =	sshrl.u32 s6, $0x3;
	s13 =	sadd.s32 $0x3, s13;
	_ =	swait.ge [sflag:s15], $0x4000  }
0xc4: {  	p1 =	slt.s32 s2, s9;
	s5 =	smov.u32 s9;
	[sflag:s15] =	ssyncset.done $0x0  }
0xc5: {  	s4 =	sadd.s32 $0xFFFFFFFE, s13;
	s5 =	smov.u32 @p1 s2;
	[sflag:s15] =	ssyncadd.s32 $0xFFFFC000  }
0xc6: {  	p1 =	slt.s32 s4, s9;
	s2 =	sshrl.u32 s5, $0x3;
	[bflag:$0x0] =	sbarrier.arrive $0xFFFF  }
0xc7: {  	s2 =	smul.u32 $0x120000, s2;
	s1 =	sadd.s32 s30, s6;
	s19 =	rddreg [dreg:$0x2]  }
0xc8: {  	[spmem:s19] =	stream.indirect.scatter.add.f32 [tilespmem:s20], [sflag:$0xA], $0x1, s18, s3, $0xb8;
	[tilespmem:$0x19000] =	vst v63  }
.Ltmp1:
0xc9: {  	s6 =	smov.u32 s9;
	_ =	swait.ge [sflag:s29], $0x2400;
	(pc) =	sbr.rel @p0 .LBB2_4-.Ltmp1, $4  }
0xca: {  	s5 =	sshll.u32 s5, $0x7;
	s6 =	smov.u32 @p1 s4;
	[sflag:s29] =	ssyncset.done $0x0  }
0xcb: {  	s2 =	sadd.s32 s8, s2;
	s24 =	sand.u32 $0x380, s5;
	[sflag:s29] =	ssyncadd.s32 $0xFFFFDC00  }
0xcc: {  	s2 =	sor.u32 s24, s2;
	s20 =	sshrl.u32 s6, $0x3;
	[bflag:$0x0] =	sbarrier.arrive $0xFFFF  }
0xcd: {  	s4 =	sshll.u32 s6, $0x7;
	s6 =	sshrl.u32 s2, $0x3;
	s5 =	smul.u32 $0x120000, s20  }
0xce: {  	s24 =	rddreg [dreg:$0xb]  }
0xcf: {  	s0 =	simm.s32 $0x10;
	s19 =	rddreg [dreg:$0xc];
	s20 =	simm.s32 $0x2  }
0xd0: {  	[hbm:s1@s31], [sflag:s24] =	dma.strided [spmem:s19@s0], $0x800, s10, $0x10   }
0xd1: {  	_ =	swait.ge [sflag:s20], $0x2400  }
0xd2: {  	s17 =	sadd.s32 s7, s6;
	[sflag:s20] =	ssyncset.done $0x0  }
0xd3: {  	s18 =	simm.s32 $0x400;
	s2 =	simm.s32 $0x0;
	[sflag:s20] =	ssyncadd.s32 $0xFFFFDC00  }
0xd4: {  	[tilespmem:s2], [sflag:$0x1] =	stream.strided.gather [hbm4b:s17+s31], $0x2400, s18, s31, $0x38;
	[tilespmem:$0x19000] =	vst v63  }
0xd5: {  	_ =	swait.ge [sflag:s21], $0x800  }
0xd6: {  	[sflag:s21] =	ssyncset.done $0x0  }
0xd7: {  	s1 =	simm.s32 $0x9000;
	[sflag:s21] =	ssyncadd.s32 $0xFFFFF800  }
0xd8: {  	[spmem:s22] =	stream.linear.scatter [tilespmem:s1], [sflag:$0x9], $0x4000, $0x38;
	[tilespmem:$0x19000] =	vst v63  }
0xd9: {  	_ =	swait.ge [sflag:s26], $0x4000  }
0xda: {  	[sflag:s26] =	ssyncset.done $0x0  }
0xdb: {  	[sflag:s26] =	ssyncadd.s32 $0xFFFFC000  }
0xdc: {  	[bflag:$0x0] =	sbarrier.arrive $0xFFFF  }
0xdd: {  	s2 =	simm.s32 $0x6C00;
	s28 =	rddreg [dreg:$0x3]  }
0xde: {  	[spmem:s28] =	stream.indirect.scatter.add.f32 [tilespmem:s3], [sflag:$0xA], $0x1, s2, s3, $0xb8;
	[tilespmem:$0x19000] =	vst v63  }
0xdf: {  	_ =	swait.ge [sflag:s29], $0x2400  }
0xe0: {  	[sflag:s29] =	ssyncset.done $0x0  }
0xe1: {  	[sflag:s29] =	ssyncadd.s32 $0xFFFFDC00  }
0xe2: {  	[bflag:$0x0] =	sbarrier.arrive $0xFFFF  }
0xe3: {  	s17 =	sshrl.u32 s25, $0x3;
	s18 =	rddreg [dreg:$0x9]  }
0xe4: {  	s2 =	sadd.s32 s30, s17;
	s28 =	simm.s32 $0x10;
	s25 =	rddreg [dreg:$0xa]  }
0xe5: {  	[hbm:s2@s31], [sflag:s18] =	dma.strided [spmem:s25@s28], $0x800, s10, $0x10   }
0xe6: {  	s4 =	sand.u32 $0x380, s4;
	s15 =	sadd.s32 s8, s5;
	s18 =	simm.s32 $0x3  }
0xe7: {  	s1 =	sor.u32 s4, s15;
	_ =	swait.ge [sflag:s18], $0x2400  }
0xe8: {  	s12 =	simm.s32 $0x400;
	s1 =	sshrl.u32 s1, $0x3;
	[sflag:s18] =	ssyncset.done $0x0  }
0xe9: {  	s1 =	sadd.s32 s7, s1;
	s17 =	simm.s32 $0x4;
	[sflag:s18] =	ssyncadd.s32 $0xFFFFDC00  }
0xea: {  	[tilespmem:s3], [sflag:$0x2] =	stream.strided.gather [hbm4b:s1+s31], $0x2400, s12, s31, $0x38;
	[tilespmem:$0x19000] =	vst v63  }
0xeb: {  	_ =	swait.ge [sflag:s17], $0x800  }
0xec: {  	s6 =	simm.s32 $0x9000;
	[sflag:s17] =	ssyncset.done $0x0  }
0xed: {  	s15 =	simm.s32 $0x9;
	s5 =	rddreg [dreg:$0x8];
	[sflag:s17] =	ssyncadd.s32 $0xFFFFF800  }
0xee: {  	[spmem:s5] =	stream.linear.scatter [tilespmem:s6], [sflag:$0x7], $0x4000, $0x38;
	[tilespmem:$0x19000] =	vst v63  }
0xef: {  	_ =	swait.ge [sflag:s15], $0x4000  }
0xf0: {  	[sflag:s15] =	ssyncset.done $0x0  }
0xf1: {  	[sflag:s15] =	ssyncadd.s32 $0xFFFFC000  }
0xf2: {  	s22 =	simm.s32 $0x6C00;
	s12 =	rddreg [dreg:$0x7];
	[bflag:$0x0] =	sbarrier.arrive $0xFFFF  }
0xf3: {  	s6 =	simm.s32 $0x4800;
	s2 =	sadd.s32 s16, s12;
	s25 =	rddreg [dreg:$0x4]  }
0xf4: {  	[spmem:s25] =	stream.indirect.scatter.add.f32 [tilespmem:s6], [sflag:$0xA], $0x1, s22, s3, $0xb8;
	[tilespmem:$0x19000] =	vst v63  }
0xf5: {  	s4 =	sadd.s32 $0xFFFFFFFF, s13;
	s1 =	sadd.s32 $0x80000, s2;
	_ =	swait.ge [sflag:s29], $0x2400  }
0xf6: {  	s16 =	sand.u32 $0x380, s14;
	s1 =	sand.u32 $0x3E00000, s1;
	[sflag:s29] =	ssyncset.done $0x0  }
0xf7: {  	p0 =	slt.s32 s4, s9;
	s1 =	sor.u32 s1, s16;
	[sflag:s29] =	ssyncadd.s32 $0xFFFFDC00  }
0xf8: {  	s5 =	smov.u32 s9;
	s1 =	sor.u32 s11, s1;
	[bflag:$0x0] =	sbarrier.arrive $0xFFFF  }
0xf9: {  	s5 =	smov.u32 @p0 s4;
	s1 =	sshrl.u32 s1, $0x3;
	s22 =	rddreg [dreg:$0xd]  }
0xfa: {  	s4 =	sshrl.u32 s5, $0x3;
	s1 =	sadd.s32 s30, s1;
	s16 =	rddreg [dreg:$0xe]  }
0xfb: {  	[hbm:s1@s31], [sflag:s22] =	dma.strided [spmem:s16@s28], $0x800, s10, $0x10   }
0xfc: {  	s1 =	smul.u32 $0x120000, s4  }
0xfd: {  	s4 =	sshll.u32 s5, $0x7  }
0xfe: {  	s4 =	sand.u32 $0x380, s4;
	s1 =	sadd.s32 s8, s1  }
0xff: {  	_ =	swait.ge [sflag:s10], $0x2400;
	s1 =	sor.u32 s4, s1  }
0x100: {  	s0 =	simm.s32 $0x400;
	[sflag:s10] =	ssyncset.done $0x0;
	s1 =	sshrl.u32 s1, $0x3  }
0x101: {  	s12 =	simm.s32 $0x4800;
	[sflag:s10] =	ssyncadd.s32 $0xFFFFDC00;
	s1 =	sadd.s32 s7, s1  }
0x102: {  	[tilespmem:s12], [sflag:$0x3] =	stream.strided.gather [hbm4b:s1+s31], $0x2400, s0, s31, $0x38;
	[tilespmem:$0x19000] =	vst v63  }
0x103: {  	_ =	swait.ge [sflag:s23], $0x800  }
0x104: {  	s6 =	simm.s32 $0x9000;
	[sflag:s23] =	ssyncset.done $0x0  }
0x105: {  	s5 =	simm.s32 $0x7;
	s28 =	rddreg [dreg:$0x6];
	[sflag:s23] =	ssyncadd.s32 $0xFFFFF800  }
0x106: {  	[spmem:s28] =	stream.linear.scatter [tilespmem:s6], [sflag:$0x8], $0x4000, $0x38;
	[tilespmem:$0x19000] =	vst v63  }
0x107: {  	_ =	swait.ge [sflag:s5], $0x4000  }
0x108: {  	[sflag:s5] =	ssyncset.done $0x0  }
0x109: {  	s12 =	sadd.s32 $0x80, s14;
	s0 =	sadd.s32 $0xC0000, s2;
	[sflag:s5] =	ssyncadd.s32 $0xFFFFC000  }
0x10a: {  	s4 =	sand.u32 $0x7FE00000, s0;
	s1 =	sand.u32 $0x380, s12;
	[bflag:$0x0] =	sbarrier.arrive $0xFFFF  }
0x10b: {  	s0 =	simm.s32 $0x0;
	s6 =	simm.s32 $0x6C00;
	s12 =	rddreg [dreg:$0x2]  }
0x10c: {  	[spmem:s12] =	stream.indirect.scatter.add.f32 [tilespmem:s0], [sflag:$0xA], $0x1, s6, s3, $0xb8;
	[tilespmem:$0x19000] =	vst v63  }
0x10d: {  	s1 =	sor.u32 s4, s1;
	_ =	swait.ge [sflag:s29], $0x2400  }
0x10e: {  	s1 =	sor.u32 s11, s1;
	[sflag:s29] =	ssyncset.done $0x0  }
0x10f: {  	s1 =	sshrl.u32 s1, $0x3;
	[sflag:s29] =	ssyncadd.s32 $0xFFFFDC00  }
0x110: {  	s1 =	sadd.s32 s30, s1;
	s6 =	simm.s32 $0x10;
	[bflag:$0x0] =	sbarrier.arrive $0xFFFF  }
0x111: {  	[hbm:s1@s31], [sflag:s24] =	dma.strided [spmem:s19@s6], $0x800, s10, $0x10   }
0x112: {  	p0 =	slt.s32 s13, s9;
	s1 =	smov.u32 s9  }
0x113: {  	s1 =	smov.u32 @p0 s13  }
0x114: {  	s6 =	sshrl.u32 s1, $0x3  }
0x115: {  	s4 =	smul.u32 $0x120000, s6  }
0x116: {  	s1 =	sshll.u32 s1, $0x7  }
0x117: {  	s1 =	sand.u32 $0x380, s1;
	s4 =	sadd.s32 s8, s4  }
0x118: {  	_ =	swait.ge [sflag:s20], $0x2400;
	s1 =	sor.u32 s1, s4  }
0x119: {  	[sflag:s20] =	ssyncset.done $0x0;
	s1 =	sshrl.u32 s1, $0x3  }
0x11a: {  	[sflag:s20] =	ssyncadd.s32 $0xFFFFDC00;
	s6 =	simm.s32 $0x400;
	s1 =	sadd.s32 s7, s1  }
0x11b: {  	[tilespmem:s0], [sflag:$0x1] =	stream.strided.gather [hbm4b:s1+s31], $0x2400, s6, s31, $0x38;
	[tilespmem:$0x19000] =	vst v63  }
0x11c: {  	_ =	swait.ge [sflag:s21], $0x800  }
0x11d: {  	[sflag:s21] =	ssyncset.done $0x0  }
0x11e: {  	s13 =	simm.s32 $0x9000;
	s4 =	rddreg [dreg:$0x1c];
	[sflag:s21] =	ssyncadd.s32 $0xFFFFF800  }
0x11f: {  	[spmem:s4] =	stream.linear.scatter [tilespmem:s13], [sflag:$0x9], $0x4000, $0x38;
	[tilespmem:$0x19000] =	vst v63  }
0x120: {  	_ =	swait.ge [sflag:s26], $0x4000  }
0x121: {  	[sflag:s26] =	ssyncset.done $0x0  }
0x122: {  	[sflag:s26] =	ssyncadd.s32 $0xFFFFC000  }
0x123: {  	[bflag:$0x0] =	sbarrier.arrive $0xFFFF  }
0x124: {  	s19 =	sadd.s32 $0x100, s14;
	s14 =	simm.s32 $0x6C00;
	s13 =	rddreg [dreg:$0x3]  }
0x125: {  	[spmem:s13] =	stream.indirect.scatter.add.f32 [tilespmem:s3], [sflag:$0xA], $0x1, s14, s3, $0xb8;
	[tilespmem:$0x19000] =	vst v63  }
0x126: {  	s2 =	sadd.s32 $0x100000, s2;
	_ =	swait.ge [sflag:s29], $0x2400  }
0x127: {  	s2 =	sand.u32 $0x7FE00000, s2;
	s1 =	sand.u32 $0x380, s19;
	[sflag:s29] =	ssyncset.done $0x0  }
0x128: {  	s1 =	sor.u32 s2, s1;
	[sflag:s29] =	ssyncadd.s32 $0xFFFFDC00  }
0x129: {  	s1 =	sor.u32 s11, s1;
	[bflag:$0x0] =	sbarrier.arrive $0xFFFF  }
0x12a: {  	s1 =	sshrl.u32 s1, $0x3;
	s26 =	rddreg [dreg:$0x9]  }
0x12b: {  	s2 =	simm.s32 $0x10;
	s1 =	sadd.s32 s30, s1;
	s0 =	rddreg [dreg:$0xa]  }
0x12c: {  	[hbm:s1@s31], [sflag:s26] =	dma.strided [spmem:s0@s2], $0x800, s10, $0x10   }
0x12d: {  	_ =	swait.ge [sflag:s18], $0x2400  }
0x12e: {  	[sflag:s18] =	ssyncset.done $0x0  }
0x12f: {  	s1 =	rddreg [dreg:$0x15];
	[sflag:s18] =	ssyncadd.s32 $0xFFFFDC00  }
0x130: {  	[tilespmem:s3], [sflag:$0x2] =	stream.strided.gather [hbm4b:s1+s31], $0x2400, s6, s31, $0x38;
	[tilespmem:$0x19000] =	vst v63  }
0x131: {  	_ =	swait.ge [sflag:s17], $0x800  }
0x132: {  	[sflag:s17] =	ssyncset.done $0x0  }
0x133: {  	s24 =	simm.s32 $0x9000;
	[sflag:s17] =	ssyncadd.s32 $0xFFFFF800;
	s17 =	rddreg [dreg:$0x8]  }
0x134: {  	[spmem:s17] =	stream.linear.scatter [tilespmem:s24], [sflag:$0x7], $0x4000, $0x38;
	[tilespmem:$0x19000] =	vst v63  }
0x135: {  	_ =	swait.ge [sflag:s15], $0x4000  }
0x136: {  	[sflag:s15] =	ssyncset.done $0x0  }
0x137: {  	[sflag:s15] =	ssyncadd.s32 $0xFFFFC000  }
0x138: {  	s18 =	simm.s32 $0x4800;
	[bflag:$0x0] =	sbarrier.arrive $0xFFFF  }
0x139: {  	[spmem:s25] =	stream.indirect.scatter.add.f32 [tilespmem:s18], [sflag:$0xA], $0x1, s14, s3, $0xb8;
	[tilespmem:$0x19000] =	vst v63  }
0x13a: {  	_ =	swait.ge [sflag:s29], $0x2400  }
0x13b: {  	[sflag:s29] =	ssyncset.done $0x0  }
0x13c: {  	[sflag:s29] =	ssyncadd.s32 $0xFFFFDC00  }
0x13d: {  	[bflag:$0x0] =	sbarrier.arrive $0xFFFF  }
0x13e: {  	s19 =	rddreg [dreg:$0x16]  }
0x13f: {  	[hbm:s19@s31], [sflag:s22] =	dma.strided [spmem:s16@s2], $0x800, s10, $0x10   }
0x140: {  	_ =	swait.ge [sflag:s23], $0x800  }
0x141: {  	[sflag:s23] =	ssyncset.done $0x0  }
0x142: {  	[sflag:s23] =	ssyncadd.s32 $0xFFFFF800  }
0x143: {  	_ =	swait.ge [sflag:s21], $0x800  }
0x144: {  	[sflag:s21] =	ssyncset.done $0x0  }
0x145: {  	[sflag:s21] =	ssyncadd.s32 $0xFFFFF800  }
0x146: {  	_ =	swait.ge [sflag:s5], $0x4000  }
0x147: {  	[sflag:s5] =	ssyncset.done $0x0  }
0x148: {  	[sflag:s5] =	ssyncadd.s32 $0xFFFFC000  }
0x149: {  	_ =	swait.ge [sflag:s10], $0x2400  }
0x14a: {  	[sflag:s10] =	ssyncset.done $0x0  }
0x14b: {  	[sflag:s10] =	ssyncadd.s32 $0xFFFFDC00  }
0x14c: {  	_ =	swait.ge [sflag:s20], $0x2400  }
0x14d: {  	s24 =	rddreg [dreg:$0x1b]  }
0x14e: {  	s26 =	rddreg [dreg:$0x17];
	s1 =	sadd.s32 $0x1, s24  }
0x14f: {  	s15 =	simm.s32 $0x7;
	s14 =	smov.u32 s17;
	p0 =	sne.s32 s1, s26  }
.Ltmp2:
0x150: {  	s17 =	smov.u32 s4;
	s4 =	simm.s32 $0x6C00;
	(pc) =	sbr.rel @p0 .LBB2_1-.Ltmp2, $4  }
0x151: {  	s18 =	simm.s32 $0x10;
	s22 =	simm.s32 $0x2;
	s19 =	simm.s32 $0x3  }
0x152: {  	s23 =	simm.s32 $0x8;
	s21 =	simm.s32 $0x4800;
	[sflag:s20] =	ssyncset.done $0x0  }
0x153: {  	s5 =	simm.s32 $0x9000;
	s6 =	rddreg [dreg:$0x7];
	[sflag:s20] =	ssyncadd.s32 $0xFFFFDC00  }
0x154: {  	s20 =	smov.u32 s12;
	s12 =	smov.u32 s13;
	s13 =	simm.s32 $0x0  }
0x155: {  	_ =	sfence.sel $0x180000  }
0x156: {  	[bflag:$0x0] =	sbarrier.arrive $0xFFFF  }
0x157: {  	_ =	strace $0x9000004A  }
0x158: {  	s0 =	stileid.u32;
	[bflag:$0x2] =	sbarrier.arrive $0xFFFF  }
0x159: {  	p0 =	sne.s32 s0, $0x0;
	s0 =	rddreg [dreg:$0x5]  }
0x15a: {  	s0 =	sadd.s32 @!p0 $0x100000, s0  }
0x15b: {  	[sflag:s0] =	ssyncadd.tile.s32 @!p0 $0x1;
	_ =	shalt  }
.Lfunc_end2:
_tile_overlayer_lowered:
.L_overlay_start_2:
0x15c: {  	(tag) =	ssettag $0x2  }
0x15d: {  	s0 =	rddreg [dreg:$0x0];
	s2 =	stileid.u32  }
0x15e: {  	s1 =	rddreg [dreg:$0x1];
	p0 =	sne.s32 s2, $0x0  }
0x15f: {  	s3 =	rddreg [dreg:$0x2];
	[bflag:$0x3] =	sbarrier.arrive $0xFFFF;
	s2 =	simm.s32 @!p0 $0x1C0A  }
0x160: {  	[timem:s3], [sflag:s2] =	dma.local @!p0 [hbm:s0], s1  }
0x161: {  	s0 =	simm.s32 @!p0 $0xA  }
0x162: {  	_ =	swait.ge @!p0 [sflag:s0], s1  }
0x163: {  	s1 =	ssub.s32 @!p0 $0x0, s1;
	[sflag:s0] =	ssyncset.done @!p0 $0x0  }
0x164: {  	[sflag:s0] =	ssyncadd.s32 @!p0 s1  }
0x165: {  	[bflag:$0x3] =	sbarrier.arrive $0xFFFF  }
0x166: {  	_ =	shalt  }

// kernel: sparse-core-data-format-call.1.cloned.1.call-start
scs
called_computation.1_lowered:
.L_overlay_start_0:
0x0: {  	s2 =	sld [smem:$0x3FD9]  }
0x1: {  	s3 =	sld [smem:$0x3FFE];
	_ =	sdelay $0x1  }
0x2: {  	s1 =	srdreg.scid  }
0x3: {  	s0 =	sand.u32 $0x1, s1  }
0x4: {  	s18 =	sshll.u32 s0, $0xA;
	s2 =	sadd.s32 s3, s2  }
0x5: {  	s2 =	sadd.s32 s2, s18  }
0x6: {  	[smem:$0x3FC6] =	sst s2  }
0x7: {  	_ = 	snop  }
0x8: {  	s2 =	sld [smem:$0x3FC9];
	(tm) =	ssettm $0x1  }
0x9: {  	s19 =	sld [smem:$0x3FFB];
	_ =	sdelay $0x3  }
0xa: {  	_ =	strace s19  }
0xb: {  	s3 =	sld [smem:$0x3FFC];
	_ =	sdelay $0x3  }
0xc: {  	_ =	strace s3  }
0xd: {  	s3 =	sld [smem:$0x3FFD];
	_ =	sdelay $0x3  }
0xe: {  	_ =	strace s3  }
0xf: {  	_ =	strace $0x8FFFFFFF  }
0x10: {  	s20 =	sld [smem:$0x3FDB];
	_ =	sdelay $0x1  }
0x11: {  	s4 =	simm.s32 $_scs_section_size  }
0x12: {  	s5 =	simm.s32 $_size__tile_overlayer_lowered;
	s6 =	simm.s32 $_tile_overlayer_lowered  }
0x13: {  	s23 =	simm.s32 $0x1BFF;
	s22 =	sshll.u32 s6, $0x1;
	s3 =	sadd.s32 s4, s20  }
0x14: {  	s7 =	simm.s32 $0x0;
	s21 =	sshll.u32 s5, $0x1;
	s5 =	sadd.s32 s22, s3  }
0x15: {  	[timem:s7], [sflag:s23] =	dma.local [hbm:s5], s21  }
0x16: {  	_ =	swait.ge [sflag:s23], s21  }
0x17: {  	s4 =	ssub.s32 $0x0, s21;
	[sflag:s23] =	ssyncset.done $0x0  }
0x18: {  	[sflag:s23] =	ssyncadd.s32 s4;
	_ =	sdelay $0x1  }
0x19: {  	s24 =	simm.s32 $0x1B8B  }
0x1a: {  	_ =	swait.ge [sflag:s24], $0x1  }
0x1b: {  	[sflag:s24] =	ssyncset.done $0x0  }
0x1c: {  	s26 =	simm.s32 $0x1B8E;
	s25 =	sld [smem:$0x3FFE];
	[sflag:s24] =	ssyncadd.s32 $0xFFFFFFFF  }
0x1d: {  	s27 =	simm.s32 $execute0_lowered;
	[smem:$0x3FD2] =	sst s26  }
0x1e: {  	s5 =	sshll.u32 s27, $0x1;
	_ =	strace $0x80000046;
	[dreg:$0x1] =	wrdreg $0xFFFFFFFF  }
0x1f: {  	s28 =	simm.s32 $_size_execute0_lowered;
	s3 =	sadd.s32 s3, s5;
	[dreg:$0x0] =	wrdreg $0x0  }
0x20: {  	s5 =	sshll.u32 s28, $0x1;
	[dreg:$0x2] =	wrdreg s3  }
0x21: {  	[dreg:$0x3] =	wrdreg s5  }
0x22: {  	[dreg:$0x4] =	wrdreg $0xC0  }
0x23: {  	_ =	task [dreg:s7], $0x5FFFF  }
0x24: {  	[dreg:$0x1] =	wrdreg $0xFFFFFFFF  }
0x25: {  	[dreg:$0x0] =	wrdreg $0x60  }
0x26: {  	[dreg:$0x2] =	wrdreg s2  }
0x27: {  	[dreg:$0x3] =	wrdreg s25  }
0x28: {  	[dreg:$0x4] =	wrdreg $0x9  }
0x29: {  	_ =	task.clear_ibuf [dreg:s7], $0x5FFFF;
	_ =	strace $0x90000046  }
0x2a: {  	s29 =	simm.s32 $0x9;
	_ =	strace $0x80000048  }
0x2b: {  	_ =	swait.ge [sflag:s29], $0x1  }
0x2c: {  	[sflag:s29] =	ssyncadd.s32 $0xFFFFFFFF  }
0x2d: {  	_ =	strace $0x90000048  }
0x2e: {  	_ =	sfence  }
0x2f: {  	s30 =	sld [smem:$0x0];
	_ =	sdelay $0x2  }
0x30: {  	s31 =	sshll.u32 s1, $0xD;
	s1 =	sshrl.u32 s1, $0x2  }
0x31: {  	s3 =	sand.u32 $0x4000, s31;
	s1 =	sadd.s32 s1, s30  }
0x32: {  	s0 =	sor.u32 s3, s0;
	s1 =	sshll.u32 s1, $0x11  }
0x33: {  	s0 =	sor.u32 s1, s0  }
0x34: {  	s0 =	sadd.s32 $0x8F2B, s0  }
0x35: {  	[sflag:s0] =	ssyncadd.remote.s32 $0x1  }
0x36: {  	_ =	sfence.sel $0xFFFF  }
0x37: {  	[dreg:$0x0] =	wrdreg $0xFFFFFFFF;
	(pc) =	sbr.abs _section_cstart, $3  }
0x38: {  	[dreg:$0x1] =	wrdreg $0xFFFFFFFF  }
0x39: {  	_ =	task.clear_ibuf [dreg:s7], $0x2FFFF;
	_ =	strace $0x9FFFFFFF  }
0x3a: {  	(tm) =	ssettm $0x7FFFFFFF  }
0x3b: {  	_ =	shalt  }
tec
execute0_lowered:
.L_overlay_start_1:
0x0: {  	(tag) =	ssettag $0x1  }
0x1: {  	s2 =	rddreg [dreg:$0x0]  }
0x2: {  	s1 =	rddreg [dreg:$0x1]  }
0x3: {  	s0 =	rddreg [dreg:$0x2];
	s4 =	srdreg.scid  }
0x4: {  	_ =	strace $0x80000047;
	s7 =	simm.s32 $0x2;
	s15 =	simm.s32 $0x0  }
0x5: {  	p0 =	por $0x0, $0x0;
	s13 =	simm.s32 $0x0;
	s16 =	simm.s32 $0x0  }
0x6: {  	s14 =	simm.s32 $0x0;
	s9 =	simm.s32 $0x0;
	s10 =	simm.s32 $0x0  }
.Ltmp0:
0x7: {  	s3 =	sadd.s32 $0xE00, s1;
	s4 =	sshll.u32 s4, $0x4;
	(pc) =	sbr.rel .LBB1_1-.Ltmp0, $4  }
0x8: {  	s1 =	stileid.u32;
	s5 =	sand.u32 $0x10, s4;
	s4 =	simm.s32 $0x1  }
0x9: {  	s8 =	simm.s32 $0x0;
	s6 =	sor.u32 s1, s5;
	[sflag:s4] =	ssyncpa.u1 $0x0  }
0xa: {  	s5 =	sand.u32 $0x3, s1;
	s6 =	sshrl.u32 s6, $0x2;
	[sflag:s7] =	ssyncpa.u1 $0x0  }
0xb: {  	s7 =	simm.s32 $0xC00;
	s12 =	smov.u32 s5;
	s11 =	smov.u32 s6  }
.LBB1_5:
0xc: {  	s17 =	sadd.s32 $0x80, s9  }
0xd: {  	s13 =	sadd.s32 $0x80, s10;
	s18 =	smov.u32 s10;
	p2 =	sgt.s32 s17, $0x17F  }
0xe: {  	s18 =	smov.u32 @p2 s13  }
0xf: {  	s19 =	smov.u32 s11;
	s13 =	sadd.s32 $0x8, s11;
	p3 =	sgt.s32 s18, $0x17F  }
0x10: {  	s19 =	smov.u32 @p3 s13  }
0x11: {  	s20 =	smov.u32 s12;
	s13 =	sadd.s32 $0x4, s12;
	p4 =	sgt.s32 s19, $0x7  }
0x12: {  	p1 =	slt.u32 s8, $0x2;
	s20 =	smov.u32 @p4 s13  }
0x13: {  	s8 =	sadd.s32 $0x1, s8;
	s17 =	simm.s32 @p2 $0x0;
	p2 =	sgt.s32 s20, $0x17  }
0x14: {  	s15 =	smov.u32 s9;
	s20 =	smov.u32 @p2 s5;
	p2 =	sne.s32 s8, $0x38  }
.Ltmp1:
0x15: {  	s16 =	smov.u32 s11;
	s21 =	simm.s32 @!p1 $0x2;
	(pc) =	sbr.rel @!p2 .LBB1_6-.Ltmp1, $4  }
0x16: {  	s14 =	smov.u32 s12;
	p0 =	por !p0, !p0;
	_ =	swait.ge @!p1 [sflag:s21], $0x4000  }
0x17: {  	[sflag:s21] =	ssyncset.done @!p1 $0x0;
	s9 =	smov.u32 s17;
	s18 =	simm.s32 @p3 $0x0  }
0x18: {  	[sflag:s21] =	ssyncadd.s32 @!p1 $0xFFFFC000;
	s19 =	smov.u32 @p4 s6;
	s13 =	smov.u32 s10  }
0x19: {  	s10 =	smov.u32 s18;
	s11 =	smov.u32 s19;
	s12 =	smov.u32 s20  }
.LBB1_1:
0x1a: {  	p1 =	sgt.u32 s8, $0x35  }
0x1b: {  	s17 =	sshrl.u32 @!p1 s10, $0x3  }
0x1c: {  	s18 =	sshll.u32 @!p1 s9, $0x3;
	s17 =	smul.u32 @!p1 $0xC00, s17  }
0x1d: {  	s19 =	sshll.u32 @!p1 s10, $0x7;
	s18 =	sand.u32 @!p1 $0xFFFFFC00, s18  }
0x1e: {  	s17 =	sadd.s32 @!p1 s17, s18;
	s18 =	sand.u32 @!p1 $0x380, s19  }
0x1f: {  	s19 =	sand.u32 @!p1 $0x7F, s9;
	s17 =	sor.u32 @!p1 s18, s17  }
0x20: {  	s18 =	sor.u32 @!p1 s19, s17;
	s17 =	smulhi.u32 @!p1 $0xAAAAAAAB, s17;
	_ =	sdelay $0x1  }
0x21: {  	s19 =	smulhi.u32 @!p1 $0xAAAAAAAB, s18;
	s17 =	sshrl.u32 @!p1 s17, $0x8  }
0x22: {  	s20 =	smulhi.u32 @!p1 $0xAAAAAB, s17  }
0x23: {  	s22 =	smul.u32 @!p1 $0x24000, s12  }
0x24: {  	s19 =	sshrl.u32 @!p1 s19, $0x8;
	s20 =	smul.u32 @!p1 $0x180, s20  }
0x25: {  	s21 =	sxor.u32 @!p1 $0xFFFFFFFF, s8;
	s19 =	smul.u32 @!p1 $0x180, s19  }
0x26: {  	s21 =	sshll.u32 @!p1 s21, $0xE;
	s17 =	ssub.s32 @!p1 s17, s20;
	s20 =	smul.u32 @!p1 $0x4800, s11  }
0x27: {  	s18 =	ssub.s32 @!p1 s18, s19;
	s19 =	sadd.s32 @!p1 s2, s22;
	s17 =	smul.u32 @!p1 $0x30, s17  }
0x28: {  	s21 =	sand.u32 @!p1 $0x4000, s21;
	s19 =	sadd.s32 @!p1 s20, s19;
	s20 =	sand.u32 @!p1 $0x7, s18  }
0x29: {  	s18 =	sshrl.u32 @!p1 s18, $0x3;
	s17 =	sadd.s32 @!p1 s17, s19;
	s19 =	sshll.u32 @!p1 s20, $0x12  }
0x2a: {  	s17 =	sadd.s32 @!p1 s18, s17;
	s18 =	sor.u32 @!p1 $0x400, s19;
	s19 =	simm.s32 @!p1 $0xC00  }
0x2b: {  	[tilespmem:s21], [sflag:$0x1] =	stream.strided.gather @!p1 [hbm4b:s17+s18], $0x4000, s19, s18, $0x38;
	[tilespmem:$0x10000] =	vst v63  }
0x2c: {  	p1 =	seq.s32 s8, $0x0  }
0x2d: {  	p2 =	seq.s32 @!p1 s8, $0x37  }
0x2e: {  	p1 =	por p1, p2  }
.Ltmp2:
0x2f: {  	_ = 	snop;
	(pc) =	sbr.rel @p1 .LBB1_5-.Ltmp2, $1  }
0x30: {  	_ =	sdelay $0x3  }
0x31: {  	s17 =	simm.s32 $0x1  }
0x32: {  	s17 =	simm.s32 @!p0 $0x0  }
0x33: {  	s17 =	sshll.u32 s17, $0xE  }
0x34: {  	s18 =	sor.u32 $0x40, s17  }
0x35: {  	v1 =	vmov s18;
	_ =	sdelay $0x1  }
0x36: {  	_ =	swait.ge [sflag:s4], $0x4000  }
0x37: {  	[sflag:s4] =	ssyncset.done $0x0  }
0x38: {  	s19 =	simm.s32 $0x0;
	[sflag:s4] =	ssyncadd.s32 $0xFFFFC000  }
0x39: {  	s17 =	sor.u32 $0x8070, s17;
	v6 =	vld.idx.msk [tilespmem:v1+s19+$0x30 ss:$0x1], $0xffff  }
0x3a: {  	v0 =	vmov s17;
	v8 =	vld.idx.msk [tilespmem:v1+s19+$0xFFFFFFC0 ss:$0x1], $0xffff  }
0x3b: {  	v7 =	vld.idx.msk [tilespmem:v1+s19+$0xFFFFFFD0 ss:$0x1], $0xffff  }
0x3c: {  	v5 =	vld.idx.msk [tilespmem:v1+s19+$0xFFFFFFE0 ss:$0x1], $0xffff  }
0x3d: {  	v4 =	vld.idx.msk [tilespmem:v1+s19+$0xFFFFFFF0 ss:$0x1], $0xffff  }
0x3e: {  	s31 =	sshll.u32 s8, $0xE;
	v2 =	vld.idx.msk [tilespmem:v1+s19+$0x0 ss:$0x1], $0xffff  }
0x3f: {  	s17 =	sand.u32 $0x4000, s31;
	v3 =	vld.idx.msk [tilespmem:v1+s19+$0x10 ss:$0x1], $0xffff;
	[tilespmem:v0+s19+$0x0 ss:$0x1] =	vst.idx.msk $0xffff, v6  }
0x40: {  	s20 =	simm.s32 $0x400;
	s18 =	simm.s32 $0x80;
	s17 =	sor.u32 $0x8000, s17;
	[tilespmem:v0+s19+$0xFFFFFF90 ss:$0x1] =	vst.idx.msk $0xffff, v8;
	v6 =	vld.idx.msk [tilespmem:v1+s19+$0x20 ss:$0x1], $0xffff  }
.LBB1_3:
0x41: {  	p1 =	sne.s32 s20, $0xFE00;
	v8 =	vld.idx.msk [tilespmem:v1+s18+$0x30 ss:$0x1], $0xffff;
	[tilespmem:v0+s19+$0xFFFFFFA0 ss:$0x1] =	vst.idx.msk $0xffff, v7  }
0x42: {  	v9 =	vld.idx.msk [tilespmem:v1+s18+$0xFFFFFFC0 ss:$0x1], $0xffff;
	[tilespmem:v0+s19+$0xFFFFFFB0 ss:$0x1] =	vst.idx.msk $0xffff, v5  }
0x43: {  	v7 =	vld.idx.msk [tilespmem:v1+s18+$0xFFFFFFD0 ss:$0x1], $0xffff;
	[tilespmem:v0+s19+$0xFFFFFFC0 ss:$0x1] =	vst.idx.msk $0xffff, v4  }
.Ltmp3:
0x44: {  	v5 =	vld.idx.msk [tilespmem:v1+s18+$0xFFFFFFE0 ss:$0x1], $0xffff;
	[tilespmem:v0+s19+$0xFFFFFFD0 ss:$0x1] =	vst.idx.msk $0xffff, v2;
	(pc) =	sbr.rel @p1 .LBB1_3-.Ltmp3, $4  }
0x45: {  	v4 =	vld.idx.msk [tilespmem:v1+s18+$0xFFFFFFF0 ss:$0x1], $0xffff;
	[tilespmem:v0+s19+$0xFFFFFFE0 ss:$0x1] =	vst.idx.msk $0xffff, v3  }
0x46: {  	v2 =	vld.idx.msk [tilespmem:v1+s18+$0x0 ss:$0x1], $0xffff;
	[tilespmem:v0+s19+$0xFFFFFFF0 ss:$0x1] =	vst.idx.msk $0xffff, v6;
	s19 =	smov.u32 s18  }
0x47: {  	v3 =	vld.idx.msk [tilespmem:v1+s19+$0x10 ss:$0x1], $0xffff;
	[tilespmem:v0+s19+$0x0 ss:$0x1] =	vst.idx.msk $0xffff, v8  }
0x48: {  	s18 =	sshra.s32 s20, $0x2;
	s20 =	sadd.s32 $0x200, s20;
	[tilespmem:v0+s19+$0xFFFFFF90 ss:$0x1] =	vst.idx.msk $0xffff, v9;
	v6 =	vld.idx.msk [tilespmem:v1+s19+$0x20 ss:$0x1], $0xffff  }
0x49: {  	_ =	sdelay $0x2  }
0x4a: {  	s20 =	sshrl.u32 s16, $0x3  }
0x4b: {  	s21 =	sshll.u32 s15, $0x3;
	[tilespmem:v0+s19+$0xFFFFFFA0 ss:$0x1] =	vst.idx.msk $0xffff, v7;
	s20 =	smul.u32 $0xC00, s20  }
0x4c: {  	s27 =	sshll.u32 s16, $0x7;
	v56 =	vld.idx.msk [tilespmem:v1+s18+$0x30 ss:$0x1], $0xffff;
	[tilespmem:v0+s19+$0xFFFFFFB0 ss:$0x1] =	vst.idx.msk $0xffff, v5;
	s21 =	sand.u32 $0xFFFFFC00, s21  }
0x4d: {  	v57 =	vld.idx.msk [tilespmem:v1+s18+$0xFFFFFFC0 ss:$0x1], $0xffff;
	s16 =	sand.u32 $0x380, s27;
	[tilespmem:v0+s19+$0xFFFFFFC0 ss:$0x1] =	vst.idx.msk $0xffff, v4;
	s20 =	sadd.s32 s20, s21  }
0x4e: {  	s28 =	sand.u32 $0x7F, s15;
	v58 =	vld.idx.msk [tilespmem:v1+s18+$0xFFFFFFD0 ss:$0x1], $0xffff;
	[tilespmem:v0+s19+$0xFFFFFFD0 ss:$0x1] =	vst.idx.msk $0xffff, v2;
	s16 =	sor.u32 s16, s20  }
0x4f: {  	v59 =	vld.idx.msk [tilespmem:v1+s18+$0xFFFFFFE0 ss:$0x1], $0xffff;
	[tilespmem:v0+s19+$0xFFFFFFE0 ss:$0x1] =	vst.idx.msk $0xffff, v3;
	s15 =	sor.u32 s28, s16;
	s16 =	smulhi.u32 $0xAAAAAAAB, s16  }
0x50: {  	v60 =	vld.idx.msk [tilespmem:v1+s18+$0xFFFFFFF0 ss:$0x1], $0xffff;
	[tilespmem:v0+s19+$0xFFFFFFF0 ss:$0x1] =	vst.idx.msk $0xffff, v6;
	s29 =	smulhi.u32 $0xAAAAAAAB, s15  }
0x51: {  	v61 =	vld.idx.msk [tilespmem:v1+s18+$0x0 ss:$0x1], $0xffff;
	s14 =	smul.u32 $0x24000, s14;
	[tilespmem:v0+s18+$0x0 ss:$0x1] =	vst.idx.msk $0xffff, v56  }
0x52: {  	v62 =	vld.idx.msk [tilespmem:v1+s18+$0x10 ss:$0x1], $0xffff;
	s13 =	smul.u32 $0x180, s13;
	[tilespmem:v0+s18+$0xFFFFFF90 ss:$0x1] =	vst.idx.msk $0xffff, v57;
	s16 =	sshrl.u32 s16, $0x8;
	s30 =	sshrl.u32 s29, $0x8  }
0x53: {  	v63 =	vld.idx.msk [tilespmem:v1+s18+$0x20 ss:$0x1], $0xffff;
	[tilespmem:v0+s18+$0xFFFFFFA0 ss:$0x1] =	vst.idx.msk $0xffff, v58;
	s16 =	sand.u32 $0x7, s16;
	s19 =	smul.u32 $0x180, s30  }
0x54: {  	[tilespmem:v0+s18+$0xFFFFFFB0 ss:$0x1] =	vst.idx.msk $0xffff, v59;
	s16 =	smul.u32 $0x30, s16  }
.Ltmp4:
0x55: {  	s14 =	sadd.s32 s3, s14;
	[tilespmem:v0+s18+$0xFFFFFFC0 ss:$0x1] =	vst.idx.msk $0xffff, v60;
	s15 =	ssub.s32 s15, s19;
	(pc) =	sbr.rel .LBB1_5-.Ltmp4, $4  }
0x56: {  	s13 =	sadd.s32 s13, s14;
	[tilespmem:v0+s18+$0xFFFFFFD0 ss:$0x1] =	vst.idx.msk $0xffff, v61;
	s31 =	sand.u32 $0x7, s15  }
0x57: {  	[tilespmem:v0+s18+$0xFFFFFFE0 ss:$0x1] =	vst.idx.msk $0xffff, v62;
	s13 =	sadd.s32 s16, s13;
	s15 =	sshrl.u32 s15, $0x3;
	s14 =	sshll.u32 s31, $0x12  }
0x58: {  	[tilespmem:v0+s18+$0xFFFFFFF0 ss:$0x1] =	vst.idx.msk $0xffff, v63;
	s13 =	sadd.s32 s15, s13;
	s14 =	sor.u32 $0x80, s14  }
0x59: {  	[hbm4b:s13+s14] =	stream.strided.scatter [tilespmem:s17], [sflag:$0x2], $0x4000, s7, s14, $0x38;
	[tilespmem:$0x10000] =	vst v63  }
.LBB1_6:
0x5a: {  	_ =	sfence.sel $0x180000  }
0x5b: {  	s2 =	simm.s32 $0x1;
	[bflag:$0x0] =	sbarrier.arrive $0xFFFF  }
0x5c: {  	s31 =	simm.s32 $0x2;
	[sflag:s2] =	ssyncpa.u1 $0x1  }
0x5d: {  	[sflag:s31] =	ssyncpa.u1 $0x1  }
0x5e: {  	p0 =	sne.s32 s1, $0x0;
	_ =	strace $0x90000047  }
0x5f: {  	s0 =	sadd.s32 @!p0 $0x100000, s0;
	[bflag:$0x2] =	sbarrier.arrive $0xFFFF  }
0x60: {  	[sflag:s0] =	ssyncadd.tile.s32 @!p0 $0x1;
	_ =	shalt  }
.Lfunc_end1:
_tile_overlayer_lowered:
.L_overlay_start_2:
0x61: {  	(tag) =	ssettag $0x2  }
0x62: {  	s0 =	rddreg [dreg:$0x0];
	s2 =	stileid.u32  }
0x63: {  	s1 =	rddreg [dreg:$0x1];
	p0 =	sne.s32 s2, $0x0  }
0x64: {  	s3 =	rddreg [dreg:$0x2];
	[bflag:$0x3] =	sbarrier.arrive $0xFFFF;
	s2 =	simm.s32 @!p0 $0x1C01  }
0x65: {  	[timem:s3], [sflag:s2] =	dma.local @!p0 [hbm:s0], s1  }
0x66: {  	s0 =	simm.s32 @!p0 $0x1  }
0x67: {  	_ =	swait.ge @!p0 [sflag:s0], s1  }
0x68: {  	s1 =	ssub.s32 @!p0 $0x0, s1;
	[sflag:s0] =	ssyncset.done @!p0 $0x0  }
0x69: {  	[sflag:s0] =	ssyncadd.s32 @!p0 s1  }
0x6a: {  	[bflag:$0x3] =	sbarrier.arrive $0xFFFF  }
0x6b: {  	_ =	shalt  }

// kernel: sparse-core-data-format-call.cloned.1.call-start
scs
called_computation_lowered:
.L_overlay_start_0:
0x0: {  	s2 =	sld [smem:$0x3FD9]  }
0x1: {  	s3 =	sld [smem:$0x3FFE];
	_ =	sdelay $0x1  }
0x2: {  	s1 =	srdreg.scid  }
0x3: {  	s0 =	sand.u32 $0x1, s1  }
0x4: {  	s18 =	sshll.u32 s0, $0xA;
	s2 =	sadd.s32 s3, s2  }
0x5: {  	s2 =	sadd.s32 s2, s18  }
0x6: {  	[smem:$0x3FC6] =	sst s2  }
0x7: {  	_ = 	snop  }
0x8: {  	s2 =	sld [smem:$0x3FD0];
	(tm) =	ssettm $0x1  }
0x9: {  	s19 =	sld [smem:$0x3FFB];
	_ =	sdelay $0x3  }
0xa: {  	_ =	strace s19  }
0xb: {  	s3 =	sld [smem:$0x3FFC];
	_ =	sdelay $0x3  }
0xc: {  	_ =	strace s3  }
0xd: {  	s3 =	sld [smem:$0x3FFD];
	_ =	sdelay $0x3  }
0xe: {  	_ =	strace s3  }
0xf: {  	_ =	strace $0x8FFFFFFF  }
0x10: {  	s20 =	sld [smem:$0x3FDB];
	_ =	sdelay $0x1  }
0x11: {  	s4 =	simm.s32 $_scs_section_size  }
0x12: {  	s5 =	simm.s32 $_size__tile_overlayer_lowered;
	s6 =	simm.s32 $_tile_overlayer_lowered  }
0x13: {  	s23 =	simm.s32 $0x1BFF;
	s22 =	sshll.u32 s6, $0x1;
	s3 =	sadd.s32 s4, s20  }
0x14: {  	s7 =	simm.s32 $0x0;
	s21 =	sshll.u32 s5, $0x1;
	s5 =	sadd.s32 s22, s3  }
0x15: {  	[timem:s7], [sflag:s23] =	dma.local [hbm:s5], s21  }
0x16: {  	_ =	swait.ge [sflag:s23], s21  }
0x17: {  	s4 =	ssub.s32 $0x0, s21;
	[sflag:s23] =	ssyncset.done $0x0  }
0x18: {  	[sflag:s23] =	ssyncadd.s32 s4;
	_ =	sdelay $0x1  }
0x19: {  	s24 =	simm.s32 $0x1B8B  }
0x1a: {  	_ =	swait.ge [sflag:s24], $0x1  }
0x1b: {  	[sflag:s24] =	ssyncset.done $0x0  }
0x1c: {  	s26 =	simm.s32 $0x1B8E;
	s25 =	sld [smem:$0x3FFE];
	[sflag:s24] =	ssyncadd.s32 $0xFFFFFFFF  }
0x1d: {  	s27 =	simm.s32 $execute0_lowered;
	[smem:$0x3FD2] =	sst s26  }
0x1e: {  	s5 =	sshll.u32 s27, $0x1;
	_ =	strace $0x8000004C;
	[dreg:$0x1] =	wrdreg $0xFFFFFFFF  }
0x1f: {  	s28 =	simm.s32 $_size_execute0_lowered;
	s3 =	sadd.s32 s3, s5;
	[dreg:$0x0] =	wrdreg $0x0  }
0x20: {  	s5 =	sshll.u32 s28, $0x1;
	[dreg:$0x2] =	wrdreg s3  }
0x21: {  	[dreg:$0x3] =	wrdreg s5  }
0x22: {  	[dreg:$0x4] =	wrdreg $0xC0  }
0x23: {  	_ =	task [dreg:s7], $0x5FFFF  }
0x24: {  	[dreg:$0x1] =	wrdreg $0xFFFFFFFF  }
0x25: {  	[dreg:$0x0] =	wrdreg $0x60  }
0x26: {  	[dreg:$0x2] =	wrdreg s25  }
0x27: {  	[dreg:$0x3] =	wrdreg s2  }
0x28: {  	[dreg:$0x4] =	wrdreg $0x9  }
0x29: {  	_ =	task.clear_ibuf [dreg:s7], $0x5FFFF;
	_ =	strace $0x9000004C  }
0x2a: {  	s29 =	simm.s32 $0x9;
	_ =	strace $0x8000004E  }
0x2b: {  	_ =	swait.ge [sflag:s29], $0x1  }
0x2c: {  	[sflag:s29] =	ssyncadd.s32 $0xFFFFFFFF  }
0x2d: {  	_ =	strace $0x9000004E  }
0x2e: {  	_ =	sfence  }
0x2f: {  	s30 =	sld [smem:$0x0];
	_ =	sdelay $0x2  }
0x30: {  	s31 =	sshll.u32 s1, $0xD;
	s1 =	sshrl.u32 s1, $0x2  }
0x31: {  	s3 =	sand.u32 $0x4000, s31;
	s1 =	sadd.s32 s1, s30  }
0x32: {  	s0 =	sor.u32 s3, s0;
	s1 =	sshll.u32 s1, $0x11  }
0x33: {  	s0 =	sor.u32 s1, s0  }
0x34: {  	s0 =	sadd.s32 $0x8F2B, s0  }
0x35: {  	[sflag:s0] =	ssyncadd.remote.s32 $0x1  }
0x36: {  	_ =	sfence.sel $0xFFFF  }
0x37: {  	[dreg:$0x0] =	wrdreg $0xFFFFFFFF;
	(pc) =	sbr.abs _section_cstart, $3  }
0x38: {  	[dreg:$0x1] =	wrdreg $0xFFFFFFFF  }
0x39: {  	_ =	task.clear_ibuf [dreg:s7], $0x2FFFF;
	_ =	strace $0x9FFFFFFF  }
0x3a: {  	(tm) =	ssettm $0x7FFFFFFF  }
0x3b: {  	_ =	shalt  }
tec
execute0_lowered:
.L_overlay_start_1:
0x0: {  	(tag) =	ssettag $0x1  }
0x1: {  	s1 =	rddreg [dreg:$0x0]  }
0x2: {  	s2 =	rddreg [dreg:$0x1]  }
0x3: {  	s0 =	rddreg [dreg:$0x2]  }
0x4: {  	s4 =	srdreg.scid;
	_ =	strace $0x8000004D;
	s6 =	simm.s32 $0x2  }
0x5: {  	s18 =	simm.s32 $0x0;
	p0 =	por $0x0, $0x0;
	s17 =	simm.s32 $0x0  }
0x6: {  	s16 =	simm.s32 $0x0;
	s19 =	simm.s32 $0x0;
	s7 =	simm.s32 $0x0  }
0x7: {  	s8 =	simm.s32 $0x0;
	s10 =	simm.s32 $0x0;
	s11 =	simm.s32 $0x0  }
.Ltmp0:
0x8: {  	s12 =	simm.s32 $0x0;
	s13 =	simm.s32 $0x0;
	(pc) =	sbr.rel .LBB1_1-.Ltmp0, $4  }
0x9: {  	s14 =	simm.s32 $0x0;
	s3 =	sadd.s32 $0x800E00, s1;
	s4 =	sshll.u32 s4, $0x4  }
0xa: {  	s1 =	stileid.u32;
	s5 =	sand.u32 $0x10, s4;
	s4 =	simm.s32 $0x1  }
0xb: {  	s9 =	simm.s32 $0x0;
	s5 =	sor.u32 s1, s5;
	[sflag:s4] =	ssyncpa.u1 $0x0  }
0xc: {  	[sflag:s6] =	ssyncpa.u1 $0x0;
	s6 =	simm.s32 $0x40000;
	s15 =	smov.u32 s5  }
.LBB1_5:
0xd: {  	p1 =	slt.u32 s9, $0x2  }
0xe: {  	s22 =	smov.u32 s14;
	s23 =	smov.u32 s15;
	p2 =	sgt.s32 @!p1 s18, $0x1  }
0xf: {  	s20 =	sshra.s32 @!p1 s18, $0x1F;
	p3 =	sgt.s32 @!p1 s19, $0x7F;
	s21 =	sshra.s32 @!p1 s19, $0x1F  }
0x10: {  	p2 =	por !p2, p1;
	s20 =	sand.u32 @!p1 s20, s18;
	p3 =	por !p3, p1  }
0x11: {  	s21 =	sand.u32 @!p1 s21, s19;
	s18 =	simm.s32 @p2 $0x1;
	s19 =	simm.s32 @p3 $0x7F  }
0x12: {  	s20 =	sxor.u32 @!p1 $0xFFFFFFFF, s20;
	p2 =	sgt.s32 @!p1 s17, $0xF;
	s19 =	ssub.s32 @!p1 s19, s21  }
0x13: {  	s18 =	sadd.s32 @!p1 s20, s18;
	s21 =	sshra.s32 @!p1 s17, $0x1F;
	s20 =	sadd.s32 @!p1 $0xFFFFFF81, s19  }
0x14: {  	p2 =	por !p2, p1;
	p3 =	sgt.s32 @!p1 s20, $0x0;
	s20 =	smov.u32 s17  }
0x15: {  	s19 =	ssub.s32 @!p1 $0x80, s19;
	s17 =	sand.u32 @!p1 s21, s17;
	s20 =	simm.s32 @p2 $0xF  }
0x16: {  	s21 =	ssub.s32 @!p1 $0x1, s18;
	s17 =	ssub.s32 @!p1 s20, s17;
	s20 =	ssub.s32 @!p1 $0x0, s16  }
0x17: {  	p2 =	por !p3, p1;
	s16 =	smin.u32 @!p1 s16, s20;
	s20 =	sadd.s32 @!p1 $0xFFFFFFF1, s17  }
0x18: {  	s19 =	simm.s32 @!p2 $0x0;
	s17 =	ssub.s32 @!p1 $0x10, s17;
	p2 =	sgt.s32 @!p1 s20, $0x0  }
0x19: {  	p3 =	sgt.s32 @!p1 s16, $0x7F;
	s16 =	ssub.s32 @!p1 $0x80, s16;
	p2 =	por !p2, p1  }
0x1a: {  	s20 =	sadd.s32 $0x1, s12;
	p3 =	por !p3, p1;
	s17 =	simm.s32 @!p2 $0x0  }
0x1b: {  	s16 =	simm.s32 @!p3 $0x0;
	p3 =	sgt.s32 @!p1 s18, $0x0;
	s18 =	smul.u32 @!p1 $0x60, s21  }
0x1c: {  	p2 =	sgt.s32 s20, $0x1;
	s16 =	smul.u32 @!p1 s19, s16;
	s19 =	simm.s32 $0x1  }
0x1d: {  	s9 =	sadd.s32 $0x1, s9;
	p3 =	por !p3, p1;
	s19 =	simm.s32 @!p2 $0x0  }
0x1e: {  	p0 =	por !p0, !p0;
	s18 =	simm.s32 @!p3 $0x0;
	s21 =	sadd.s32 s19, s13  }
0x1f: {  	s16 =	smul.u32 @!p1 s17, s16;
	s17 =	sadd.s32 $0x80, s14;
	p3 =	sgt.s32 s21, $0xF  }
0x20: {  	s24 =	simm.s32 @!p1 $0x2;
	s20 =	simm.s32 @p2 $0x0;
	s22 =	smov.u32 @p3 s17  }
0x21: {  	s19 =	smov.u32 s11;
	s17 =	sadd.s32 $0x20, s15;
	p2 =	sgt.s32 s22, $0x7F  }
0x22: {  	s11 =	smov.u32 s15;
	s16 =	smul.u32 @!p1 s18, s16;
	s23 =	smov.u32 @p2 s17  }
0x23: {  	s21 =	simm.s32 @p3 $0x0;
	s22 =	simm.s32 @p2 $0x0;
	p2 =	sgt.s32 s23, $0x7F  }
0x24: {  	s18 =	smov.u32 s7;
	s23 =	smov.u32 @p2 s5;
	p2 =	sne.s32 s9, $0x82  }
.Ltmp1:
0x25: {  	s7 =	smov.u32 s12;
	s12 =	smov.u32 s20;
	(pc) =	sbr.rel @!p2 .LBB1_6-.Ltmp1, $4  }
0x26: {  	s16 =	sand.u32 @!p1 $0x3FFFFFE0, s16;
	s17 =	smov.u32 s8;
	s8 =	smov.u32 s13  }
0x27: {  	s13 =	smov.u32 s21;
	_ =	swait.ge @!p1 [sflag:s24], s16;
	s25 =	ssub.s32 @!p1 $0x0, s16  }
0x28: {  	s16 =	smov.u32 s10;
	s10 =	smov.u32 s14;
	[sflag:s24] =	ssyncset.done @!p1 $0x0  }
0x29: {  	s14 =	smov.u32 s22;
	[sflag:s24] =	ssyncadd.s32 @!p1 s25;
	s15 =	smov.u32 s23  }
.LBB1_1:
0x2a: {  	p1 =	sgt.u32 s9, $0x7F  }
0x2b: {  	s20 =	sxor.u32 @!p1 $0xFFFFFFFF, s9;
	s21 =	sshll.u32 @!p1 s15, $0x10  }
0x2c: {  	s22 =	sshll.u32 @!p1 s14, $0x9;
	s23 =	sshll.u32 @!p1 s13, $0x5;
	s21 =	sadd.s32 @!p1 s3, s21  }
0x2d: {  	s24 =	sshll.u32 @!p1 s12, $0x4;
	s20 =	sshll.u32 @!p1 s20, $0xE;
	s21 =	sadd.s32 @!p1 s22, s21  }
0x2e: {  	s20 =	sand.u32 @!p1 $0x4000, s20;
	s22 =	sand.u32 @!p1 $0x10, s24;
	s21 =	sadd.s32 @!p1 s23, s21  }
0x2f: {  	s23 =	simm.s32 @!p1 $0x1000;
	s21 =	sadd.s32 @!p1 s22, s21;
	s22 =	simm.s32 @!p1 $0x80  }
0x30: {  	[tilespmem:s20], [sflag:$0x1] =	stream.strided.gather @!p1 [hbm4b:s21+s22], $0x4000, s23, s22, $0x38;
	[tilespmem:$0x10100] =	vst v63  }
0x31: {  	p1 =	seq.s32 s9, $0x0  }
0x32: {  	p2 =	seq.s32 @!p1 s9, $0x81  }
0x33: {  	p1 =	por p1, p2  }
.Ltmp2:
0x34: {  	_ = 	snop;
	(pc) =	sbr.rel @p1 .LBB1_5-.Ltmp2, $1  }
0x35: {  	_ =	sdelay $0x3  }
0x36: {  	s20 =	simm.s32 $0x1  }
0x37: {  	_ =	swait.ge [sflag:s4], $0x4000;
	s20 =	simm.s32 @!p0 $0x0  }
0x38: {  	[sflag:s4] =	ssyncset.done $0x0;
	s21 =	sshll.u32 s20, $0xE  }
0x39: {  	[sflag:s4] =	ssyncadd.s32 $0xFFFFC000;
	s21 =	sor.u32 $0x40, s21  }
0x3a: {  	s20 =	smul.u32 $0x10200, s20;
	v0 =	vld [tilespmem:s21+$0x30]  }
0x3b: {  	v1 =	vld [tilespmem:s21+$0xFFFFFFD0]  }
0x3c: {  	s20 =	sshrl.u32 s20, $0x2;
	v5 =	vld [tilespmem:s21+$0xFFFFFFE0]  }
0x3d: {  	v6 =	vld [tilespmem:s21+$0xFFFFFFF0];
	s23 =	sor.u32 $0x8000, s20  }
0x3e: {  	s31 =	sand.u32 $0x1, s9;
	v4 =	vld [tilespmem:s21+$0x0];
	s22 =	sadd.s32 $0x0, s23  }
0x3f: {  	v3 =	vld [tilespmem:s21+$0x10];
	s20 =	smul.u32 $0x10200, s31;
	[tilespmem:s22+$0x3870 ss:$0x81] =	vst.msk $0xffff, v0  }
0x40: {  	v2 =	vld [tilespmem:s21+$0x20];
	[tilespmem:s22+$0x810 ss:$0x81] =	vst.msk $0xffff, v1  }
0x41: {  	s20 =	sshrl.u32 s20, $0x2;
	v1 =	vld [tilespmem:s21+$0xFFFFFFC0];
	[tilespmem:s22+$0x1020 ss:$0x81] =	vst.msk $0xffff, v5;
	s21 =	sadd.s32 $0x80, s21  }
0x42: {  	s24 =	simm.s32 $0x4;
	s25 =	simm.s32 $0x8;
	s20 =	sor.u32 $0x8000, s20;
	[tilespmem:s22+$0x1830 ss:$0x81] =	vst.msk $0xffff, v6;
	v0 =	vld [tilespmem:s21+$0x30]  }
.LBB1_3:
0x43: {  	p1 =	sne.s32 s25, $0x1FC;
	v5 =	vld [tilespmem:s21+$0xFFFFFFD0];
	[tilespmem:s22+$0x2040 ss:$0x81] =	vst.msk $0xffff, v4  }
0x44: {  	v6 =	vld [tilespmem:s21+$0xFFFFFFE0];
	[tilespmem:s22+$0x2850 ss:$0x81] =	vst.msk $0xffff, v3  }
0x45: {  	s26 =	sshra.s32 s24, $0x2;
	s24 =	smov.u32 s25;
	v7 =	vld [tilespmem:s21+$0xFFFFFFF0];
	[tilespmem:s22+$0x3060 ss:$0x81] =	vst.msk $0xffff, v2  }
.Ltmp3:
0x46: {  	v4 =	vld [tilespmem:s21+$0x0];
	[tilespmem:s22+$0x0 ss:$0x81] =	vst.msk $0xffff, v1;
	s22 =	sadd.s32 s26, s23;
	(pc) =	sbr.rel @p1 .LBB1_3-.Ltmp3, $4  }
0x47: {  	v3 =	vld [tilespmem:s21+$0x10];
	[tilespmem:s22+$0x3870 ss:$0x81] =	vst.msk $0xffff, v0  }
0x48: {  	[tilespmem:s22+$0x810 ss:$0x81] =	vst.msk $0xffff, v5;
	v2 =	vld [tilespmem:s21+$0x20]  }
0x49: {  	v1 =	vld [tilespmem:s21+$0xFFFFFFC0];
	[tilespmem:s22+$0x1020 ss:$0x81] =	vst.msk $0xffff, v6;
	s21 =	sadd.s32 $0x80, s21  }
0x4a: {  	s25 =	sadd.s32 $0x4, s25;
	v0 =	vld [tilespmem:s21+$0x30];
	[tilespmem:s22+$0x1830 ss:$0x81] =	vst.msk $0xffff, v7  }
0x4b: {  	s24 =	sshra.s32 s24, $0x2;
	s25 =	sshll.u32 s10, $0x3;
	p1 =	sgt.s32 s11, $0x7F  }
0x4c: {  	s26 =	smov.u32 s11;
	s27 =	sshra.s32 s11, $0x1F;
	s28 =	smov.u32 s7  }
0x4d: {  	s30 =	sshra.s32 s8, $0x1F;
	s31 =	sshra.s32 s7, $0x1F;
	s23 =	sadd.s32 s24, s23  }
0x4e: {  	s24 =	sshll.u32 s8, $0x7;
	s26 =	simm.s32 @!p1 $0x7F;
	p1 =	sgt.s32 s7, $0x1  }
0x4f: {  	s27 =	sand.u32 s27, s11;
	s30 =	sand.u32 s30, s8;
	s28 =	simm.s32 @!p1 $0x1  }
0x50: {  	s26 =	ssub.s32 s26, s27;
	p1 =	sgt.s32 s8, $0xF;
	s27 =	smov.u32 s8  }
0x51: {  	s25 =	sand.u32 $0x400, s25;
	s29 =	sadd.s32 $0xFFFFFF81, s26;
	s27 =	simm.s32 @!p1 $0xF  }
0x52: {  	s26 =	ssub.s32 $0x80, s26;
	p1 =	sgt.s32 s29, $0x0;
	s29 =	sand.u32 s31, s7  }
0x53: {  	s27 =	ssub.s32 s27, s30;
	s31 =	ssub.s32 $0x0, s10;
	s29 =	sxor.u32 $0xFFFFFFFF, s29  }
0x54: {  	v5 =	vld [tilespmem:s21+$0xFFFFFFD0];
	[tilespmem:s22+$0x2040 ss:$0x81] =	vst.msk $0xffff, v4;
	s30 =	smin.u32 s10, s31;
	s26 =	simm.s32 @p1 $0x0;
	s31 =	sadd.s32 $0xFFFFFFF1, s27  }
0x55: {  	v58 =	vld [tilespmem:s21+$0xFFFFFFE0];
	[tilespmem:s22+$0x2850 ss:$0x81] =	vst.msk $0xffff, v3;
	s27 =	ssub.s32 $0x10, s27;
	p1 =	sgt.s32 s30, $0x7F;
	s30 =	ssub.s32 $0x80, s30  }
0x56: {  	v59 =	vld [tilespmem:s21+$0xFFFFFFF0];
	[tilespmem:s22+$0x3060 ss:$0x81] =	vst.msk $0xffff, v2;
	s28 =	sadd.s32 s29, s28;
	s29 =	sand.u32 $0x400, s24;
	s24 =	sand.u32 $0x380, s24  }
0x57: {  	v60 =	vld [tilespmem:s21+$0x0];
	[tilespmem:s22+$0x0 ss:$0x81] =	vst.msk $0xffff, v1;
	s30 =	simm.s32 @p1 $0x0;
	s25 =	sadd.s32 s25, s29;
	s29 =	smul.u32 $0x300000, s7  }
0x58: {  	v61 =	vld [tilespmem:s21+$0x10];
	[tilespmem:s23+$0x3870 ss:$0x81] =	vst.msk $0xffff, v0;
	p1 =	sgt.s32 s31, $0x0;
	s31 =	smul.u32 s26, s30;
	s30 =	ssub.s32 $0x1, s28  }
0x59: {  	v62 =	vld [tilespmem:s21+$0x20];
	[tilespmem:s23+$0x810 ss:$0x81] =	vst.msk $0xffff, v5;
	s27 =	simm.s32 @p1 $0x0;
	p1 =	sgt.s32 s28, $0x0;
	s26 =	smul.u32 $0x60, s30  }
0x5a: {  	v63 =	vld [tilespmem:s21+$0xFFFFFFC0];
	[tilespmem:s23+$0x1020 ss:$0x81] =	vst.msk $0xffff, v58;
	s28 =	sshrl.u32 s10, $0x3;
	s30 =	sand.u32 $0x7, s10;
	s22 =	smul.u32 s27, s31  }
0x5b: {  	[tilespmem:s23+$0x1830 ss:$0x81] =	vst.msk $0xffff, v59;
	s31 =	sor.u32 s24, s25;
	s27 =	sshll.u32 s11, $0x8;
	s25 =	sand.u32 $0xF, s28  }
.Ltmp4:
0x5c: {  	[tilespmem:s23+$0x2040 ss:$0x81] =	vst.msk $0xffff, v60;
	s26 =	simm.s32 @p1 $0x0;
	s24 =	sadd.s32 s2, s27;
	(pc) =	sbr.rel .LBB1_5-.Ltmp4, $4  }
0x5d: {  	[tilespmem:s23+$0x2850 ss:$0x81] =	vst.msk $0xffff, v61;
	s21 =	sshrl.u32 s31, $0x3;
	s22 =	smul.u32 s26, s22;
	s24 =	sadd.s32 s25, s24  }
0x5e: {  	[tilespmem:s23+$0x3060 ss:$0x81] =	vst.msk $0xffff, v62;
	s21 =	sand.u32 $0xF0, s21;
	s25 =	sshll.u32 s30, $0x12;
	s24 =	sadd.s32 s29, s24  }
0x5f: {  	[tilespmem:s23+$0x0 ss:$0x81] =	vst.msk $0xffff, v63;
	s31 =	sor.u32 $0x80, s25;
	s22 =	sand.u32 $0x3FFFFFE0, s22;
	s21 =	sadd.s32 s21, s24  }
0x60: {  	[hbm4b:s21+s31] =	stream.strided.scatter [tilespmem:s20], [sflag:$0x2], s22, s6, s31, $0x20;
	[tilespmem:$0x10100] =	vst v63  }
.LBB1_6:
0x61: {  	_ =	sfence.sel $0x180000  }
0x62: {  	s2 =	simm.s32 $0x1;
	[bflag:$0x0] =	sbarrier.arrive $0xFFFF  }
0x63: {  	s31 =	simm.s32 $0x2;
	[sflag:s2] =	ssyncpa.u1 $0x1  }
0x64: {  	[sflag:s31] =	ssyncpa.u1 $0x1  }
0x65: {  	p0 =	sne.s32 s1, $0x0;
	_ =	strace $0x9000004D  }
0x66: {  	s0 =	sadd.s32 @!p0 $0x100000, s0;
	[bflag:$0x2] =	sbarrier.arrive $0xFFFF  }
0x67: {  	[sflag:s0] =	ssyncadd.tile.s32 @!p0 $0x1;
	_ =	shalt  }
.Lfunc_end1:
_tile_overlayer_lowered:
.L_overlay_start_2:
0x68: {  	(tag) =	ssettag $0x2  }
0x69: {  	s0 =	rddreg [dreg:$0x0];
	s2 =	stileid.u32  }
0x6a: {  	s1 =	rddreg [dreg:$0x1];
	p0 =	sne.s32 s2, $0x0  }
0x6b: {  	s3 =	rddreg [dreg:$0x2];
	[bflag:$0x3] =	sbarrier.arrive $0xFFFF;
	s2 =	simm.s32 @!p0 $0x1C01  }
0x6c: {  	[timem:s3], [sflag:s2] =	dma.local @!p0 [hbm:s0], s1  }
0x6d: {  	s0 =	simm.s32 @!p0 $0x1  }
0x6e: {  	_ =	swait.ge @!p0 [sflag:s0], s1  }
0x6f: {  	s1 =	ssub.s32 @!p0 $0x0, s1;
	[sflag:s0] =	ssyncset.done @!p0 $0x0  }
0x70: {  	[sflag:s0] =	ssyncadd.s32 @!p0 s1  }
0x71: {  	[bflag:$0x3] =	sbarrier.arrive $0xFFFF  }
0x72: {  	_ =	shalt  }

</sc_bundles>
